<compile_context>
chip_gen: v7x
topology: tpu7x:2x2x1
jax: 0.10.2.dev20260603
libtpu: 0.0.44.dev20260713+nightly
codegen_flags: <defaults>
</compile_context>

<pallas_src>
import functools

import jax
import jax.numpy as jnp
from jax import lax
from jax.experimental import pallas as pl
from jax.experimental.pallas import tpu as pltpu
from jax.experimental.pallas import tpu_sc as plsc



def _route_gather_body(E, T, b_per_w,
                       x_hbm, x0_hbm, tid_hbm,
                       pos_hbm, sidx_hbm, offs_hbm,
                       xs_hbm, xs0_hbm,
                       tid_v, r_v, rank_v, pos_v, sidx_v, offs_v, run_v,
                       shared_sidx, idx_v, rows_v, rows0_v, sem, sem0):
    cid = lax.axis_index("c")
    sid = lax.axis_index("s")

    @pl.when(sid == 0)
    def _():
        pltpu.sync_copy(tid_hbm, tid_v)
        nchunks = T // 16
        run_v[pl.ds(0, 16)] = jnp.zeros((16,), jnp.int32)

        def hash_count(i, _):
            t = tid_v[pl.ds(i * 16, 16)]
            h = t.astype(jnp.uint32)
            h = h ^ (h >> 16)
            h = h * jnp.uint32(2246822507)
            h = h ^ (h >> 13)
            h = h * jnp.uint32(3266489909)
            h = h ^ (h >> 16)
            r = (h % jnp.uint32(E)).astype(jnp.int32)
            r_v[pl.ds(i * 16, 16)] = r
            rank, last = plsc.scan_count(r)
            rank_v[pl.ds(i * 16, 16)] = rank
            cur = plsc.load_gather(run_v, [r])
            plsc.store_scatter(run_v, [r], cur + rank, mask=last)
            return 0

        lax.fori_loop(0, nchunks, hash_count, 0)
        counts = run_v[pl.ds(0, 16)]
        offs = plsc.cumsum(counts) - counts
        offs_v[pl.ds(0, 16)] = offs
        run_v[pl.ds(0, 16)] = offs

        def place(i, _):
            r = r_v[pl.ds(i * 16, 16)]
            rank = rank_v[pl.ds(i * 16, 16)]
            base = plsc.load_gather(run_v, [r])
            posv = base + rank - 1
            pos_v[pl.ds(i * 16, 16)] = posv
            tok = lax.iota(jnp.int32, 16) + i * 16
            plsc.store_scatter(sidx_v, [posv], tok)
            _, last = plsc.scan_count(r)
            plsc.store_scatter(run_v, [r], posv + 1, mask=last)
            return 0

        lax.fori_loop(0, nchunks, place, 0)
        pltpu.sync_copy(sidx_v, shared_sidx)

    @pl.when((sid == 0) & (cid == 0))
    def _():
        pltpu.sync_copy(pos_v, pos_hbm)
        pltpu.sync_copy(sidx_v, sidx_hbm)
        pltpu.sync_copy(offs_v, offs_hbm)

    plsc.subcore_barrier()

    wid = sid * 2 + cid
    base = wid * b_per_w
    pltpu.sync_copy(shared_sidx.at[pl.ds(base, b_per_w)], idx_v)
    cp = pltpu.async_copy(x_hbm.at[idx_v], rows_v, sem)
    cp0 = pltpu.async_copy(x0_hbm.at[idx_v], rows0_v, sem0)
    cp.wait()
    cp0.wait()
    pltpu.sync_copy(rows_v, xs_hbm.at[pl.ds(base, b_per_w)])
    pltpu.sync_copy(rows0_v, xs0_hbm.at[pl.ds(base, b_per_w)])


def _make_route_gather(E, T, D):
    b_per_w = T // 32
    mesh = plsc.VectorSubcoreMesh(core_axis_name="c", subcore_axis_name="s")
    i32 = jnp.int32
    f32 = jnp.float32
    return functools.partial(
        pl.kernel,
        out_type=(jax.ShapeDtypeStruct((T,), i32),
                  jax.ShapeDtypeStruct((T,), i32),
                  jax.ShapeDtypeStruct((16,), i32),
                  jax.ShapeDtypeStruct((T, D), f32),
                  jax.ShapeDtypeStruct((T, D), f32)),
        mesh=mesh,
        scratch_types=[pltpu.VMEM((T,), i32),
                       pltpu.VMEM((T,), i32),
                       pltpu.VMEM((T,), i32),
                       pltpu.VMEM((T,), i32),
                       pltpu.VMEM((T,), i32),
                       pltpu.VMEM((16,), i32),
                       pltpu.VMEM((16,), i32),
                       pltpu.VMEM_SHARED((T,), i32),
                       pltpu.VMEM((b_per_w,), i32),
                       pltpu.VMEM((b_per_w, D), f32),
                       pltpu.VMEM((b_per_w, D), f32),
                       pltpu.SemaphoreType.DMA,
                       pltpu.SemaphoreType.DMA],
        compiler_params=pltpu.CompilerParams(needs_layout_passes=False),
    )(functools.partial(_route_gather_body, E, T, b_per_w))



def _gather1_body(b_per_w, x_hbm, idx_hbm, xs_hbm, idx_v, rows_v, sem):
    wid = lax.axis_index("s") * 2 + lax.axis_index("c")
    base = wid * b_per_w
    pltpu.sync_copy(idx_hbm.at[pl.ds(base, b_per_w)], idx_v)
    pltpu.async_copy(x_hbm.at[idx_v], rows_v, sem).wait()
    pltpu.sync_copy(rows_v, xs_hbm.at[pl.ds(base, b_per_w)])


def _make_gather1(T, D):
    b_per_w = T // 32
    mesh = plsc.VectorSubcoreMesh(core_axis_name="c", subcore_axis_name="s")
    return functools.partial(
        pl.kernel,
        out_type=jax.ShapeDtypeStruct((T, D), jnp.float32),
        mesh=mesh,
        scratch_types=[pltpu.VMEM((b_per_w,), jnp.int32),
                       pltpu.VMEM((b_per_w, D), jnp.float32),
                       pltpu.SemaphoreType.DMA],
    )(functools.partial(_gather1_body, b_per_w))



_BLK = 256


def _ssm_kernel(xs_ref, xs0_ref, offs_ref, rm_ref,
                wis_ref, wso_ref, wo_ref, dp_ref, ssc_ref, msc_ref,
                w1_ref, w2_ref, ys_ref, hcar_ref):
    f32 = jnp.float32
    BLK = _BLK
    S = wo_ref.shape[1]
    D = wo_ref.shape[2]
    E = wis_ref.shape[0]
    pid = pl.program_id(0)

    @pl.when(pid == 0)
    def _():
        hcar_ref[...] = jnp.zeros_like(hcar_ref)

    xm = rm_ref[0:1, :] * xs_ref[...] + rm_ref[1:2, :] * xs0_ref[...]
    xn = xm * lax.rsqrt(jnp.mean(xm * xm, axis=-1, keepdims=True) + 1e-6)
    xnb = xn.astype(jnp.bfloat16)

    t0 = pid * BLK
    t_hi = t0 + BLK - 1
    ti = lax.broadcasted_iota(jnp.int32, (BLK, 1), 0) + t0
    e_lo = jnp.int32(0)
    e_hi = jnp.int32(0)
    for e in range(1, E):
        off_e = offs_ref[0, e]
        e_lo = jnp.where(off_e <= t0, jnp.int32(e), e_lo)
        e_hi = jnp.where(off_e <= t_hi, jnp.int32(e), e_hi)

    def _mask(e):
        lo = offs_ref[0, e]
        hi = offs_ref[0, e + 1]
        return ((ti >= lo) & (ti < hi)).astype(f32)

    SH = wis_ref.shape[2]

    def body1(e, USL):
        m = _mask(e)
        wis = wis_ref[pl.ds(e, 1)][0]
        return USL + m * jnp.dot(xnb, wis, preferred_element_type=f32)

    USL = lax.fori_loop(e_lo, e_hi + 1, body1, jnp.zeros((BLK, SH), f32))
    U = USL[:, 0:S]
    SELR = USL[:, S:]
    selb = (SELR * jax.nn.sigmoid(SELR)).astype(jnp.bfloat16)

    def body2(e, carry):
        SO, DP = carry
        m = _mask(e)
        wso = wso_ref[pl.ds(e, 1)][0]
        SO = SO + m * jnp.dot(selb, wso, preferred_element_type=f32)
        DP = DP + m * dp_ref[pl.ds(e, 1), :]
        return SO, DP

    SO, DP = lax.fori_loop(e_lo, e_hi + 1, body2,
                           (jnp.zeros((BLK, 4 * S), f32),
                            jnp.zeros((BLK, S), f32)))

    a = jax.nn.sigmoid(SO[:, 0:S])
    b = jnp.tanh(SO[:, S:2 * S])
    c = jnp.tanh(SO[:, 2 * S:3 * S])
    dg = jax.nn.sigmoid(SO[:, 3 * S:4 * S])

    amult = jnp.ones((BLK, 1), f32)
    for e in range(E):
        amult = jnp.where(ti == offs_ref[0, e], 0.0, amult)
    A = a * amult
    Hs = b * U
    ri = lax.broadcasted_iota(jnp.int32, (BLK, 1), 0)
    d = 1
    while d < BLK:
        h_sh = jnp.where(ri >= d, pltpu.roll(Hs, d, axis=0), 0.0)
        a_sh = jnp.where(ri >= d, pltpu.roll(A, d, axis=0), 1.0)
        Hs = Hs + A * h_sh
        A = A * a_sh
        d *= 2
    h = Hs + A * hcar_ref[0:1, :]
    hcar_ref[0:1, :] = h[BLK - 1:BLK, :]

    Y = c * h + DP * dg * U
    yb = Y.astype(jnp.bfloat16)

    def body3(e, OUT):
        m = _mask(e)
        wo = wo_ref[pl.ds(e, 1)][0]
        return OUT + m * jnp.dot(yb, wo, preferred_element_type=f32)

    ssm_out = lax.fori_loop(e_lo, e_hi + 1, body3, jnp.zeros((BLK, D), f32))

    xm2 = xm + ssc_ref[...] * ssm_out
    xn2 = xm2 * lax.rsqrt(jnp.mean(xm2 * xm2, axis=-1, keepdims=True) + 1e-6)
    hmid = jnp.dot(xn2.astype(jnp.bfloat16), w1_ref[...],
                   preferred_element_type=f32)
    hact = jnp.maximum(hmid, 0.0)
    hact = hact * hact
    mlp = jnp.dot(hact.astype(jnp.bfloat16), w2_ref[...],
                  preferred_element_type=f32)
    ys_ref[...] = xm2 + msc_ref[...] * mlp


def _run_ssm(xs, xs0, offs, resid_mix, wis, wso, wo, dp,
             ssc, msc, w1, w2):
    T, D = xs.shape
    E, S, _ = wo.shape
    SH = wis.shape[2]
    H = SH - S
    F = w1.shape[1]
    nblk = T // _BLK
    full = lambda *shape: pl.BlockSpec(shape, lambda i: (0,) * len(shape))
    return pl.pallas_call(
        _ssm_kernel,
        grid=(nblk,),
        in_specs=[
            pl.BlockSpec((_BLK, D), lambda i: (i, 0)),
            pl.BlockSpec((_BLK, D), lambda i: (i, 0)),
            pl.BlockSpec((1, 16), lambda i: (0, 0),
                         memory_space=pltpu.SMEM),
            full(2, D),
            full(E, D, SH),
            full(E, H, 4 * S),
            full(E, S, D),
            full(E, S),
            full(1, D),
            full(1, D),
            full(D, F),
            full(F, D),
        ],
        out_specs=pl.BlockSpec((_BLK, D), lambda i: (i, 0)),
        out_shape=jax.ShapeDtypeStruct((T, D), jnp.float32),
        scratch_shapes=[pltpu.VMEM((8, S), jnp.float32)],
    )(xs, xs0, offs.reshape(1, 16), resid_mix, wis, wso, wo, dp,
      ssc, msc, w1, w2)



def _cast_kernel(wi_ref, wsi_ref, wso_ref, wo_ref, w1_ref, w2_ref,
                 owis_ref, owso_ref, owo_ref, ow1_ref, ow2_ref):
    bf16 = jnp.bfloat16
    S = wi_ref.shape[2]
    owis_ref[:, :, 0:S] = wi_ref[...].astype(bf16)
    owis_ref[:, :, S:] = wsi_ref[...].astype(bf16)
    owso_ref[...] = wso_ref[...].astype(bf16)
    owo_ref[...] = wo_ref[...].astype(bf16)
    ow1_ref[...] = w1_ref[...].astype(bf16)
    ow2_ref[...] = w2_ref[...].astype(bf16)


def _cast_weights(wi, wsi, wso, wo, w1, w2):
    E, D, S = wi.shape
    H = wsi.shape[2]
    F = w1.shape[1]
    bf16 = jnp.bfloat16
    n = E
    spec3 = lambda d1, d2: pl.BlockSpec((1, d1, d2), lambda i: (i, 0, 0))
    return pl.pallas_call(
        _cast_kernel,
        grid=(n,),
        in_specs=[
            spec3(D, S), spec3(D, H), spec3(H, 4 * S), spec3(S, D),
            pl.BlockSpec((D // n, F), lambda i: (i, 0)),
            pl.BlockSpec((F // n, D), lambda i: (i, 0)),
        ],
        out_specs=[
            spec3(D, S + H), spec3(H, 4 * S), spec3(S, D),
            pl.BlockSpec((D // n, F), lambda i: (i, 0)),
            pl.BlockSpec((F // n, D), lambda i: (i, 0)),
        ],
        out_shape=[
            jax.ShapeDtypeStruct((E, D, S + H), bf16),
            jax.ShapeDtypeStruct((E, H, 4 * S), bf16),
            jax.ShapeDtypeStruct((E, S, D), bf16),
            jax.ShapeDtypeStruct((D, F), bf16),
            jax.ShapeDtypeStruct((F, D), bf16),
        ],
    )(wi, wsi, wso, wo, w1, w2)



def kernel(x, x0, token_ids, W_in, W_sel_in, W_sel_out, W_out, d_param,
           resid_mix, ssm_scale, mlp_scale, W_mlp1, W_mlp2):
    B, T, D = x.shape
    E, _, S = W_in.shape

    x2 = x.reshape(T, D)
    x02 = x0.reshape(T, D)
    tid = token_ids.reshape(T)

    wis, wso, wo, w1, w2 = _cast_weights(
        W_in, W_sel_in, W_sel_out, W_out, W_mlp1, W_mlp2)
    pos, sidx, offs, xs, xs0 = _make_route_gather(E, T, D)(
        x2, x02, tid)
    ys = _run_ssm(xs, xs0, offs, resid_mix,
                  wis, wso, wo, d_param,
                  ssm_scale.reshape(1, D), mlp_scale.reshape(1, D),
                  w1, w2)
    out = _make_gather1(T, D)(ys, pos)
    return out.reshape(B, T, D)

# --- scband reference (transcript-rebuilt; emitter-appended) ---
"""Pipeline reference for scband-hybrid-gpt-16793322127765 (READ-ONLY COPY).

The authoritative reference and input builder live on the scoring server;
editing this copy changes nothing except your own understanding.
"""

import jax, jax.numpy as jnp
import numpy as np


def _rms_norm(x, eps=1e-6):
    return x * jax.lax.rsqrt(jnp.mean(jnp.square(x), axis=-1, keepdims=True) + eps)


def _murmur_route(token_ids, num_experts):
    x = token_ids.astype(jnp.uint32)
    x = x ^ (x >> 16)
    x = x * jnp.uint32(2246822507)
    x = x ^ (x >> 13)
    x = x * jnp.uint32(3266489909)
    x = x ^ (x >> 16)
    return (x % jnp.uint32(num_experts)).astype(jnp.int32)


def _hash_routed_ssm(xn, routes, W_in, W_sel_in, W_sel_out, W_out, d_param):
    E, D, S = W_in.shape
    B = xn.shape[0]
    bidx = jnp.arange(B)

    def step(h, inputs):
        x_t, r_t = inputs  # [B, D], [B]
        u = jnp.einsum('bd,bds->bs', x_t, W_in[r_t])
        sel = jax.nn.silu(jnp.einsum('bd,bdh->bh', x_t, W_sel_in[r_t]))
        so = jnp.einsum('bh,bhf->bf', sel, W_sel_out[r_t])
        a_raw, b_raw, c_raw, d_raw = jnp.split(so, 4, axis=-1)
        a = jax.nn.sigmoid(a_raw)
        b = jnp.tanh(b_raw)
        c = jnp.tanh(c_raw)
        dg = jax.nn.sigmoid(d_raw)
        h_prev = h[r_t, bidx]  # gather per-(expert,batch) state
        h_new = a * h_prev + b * u
        y = c * h_new + d_param[r_t] * dg * u
        out = jnp.einsum('bs,bsd->bd', y, W_out[r_t])
        h = h.at[r_t, bidx].set(h_new)  # scatter-overwrite routed state
        return h, out

    h0 = jnp.zeros((E, B, S), dtype=xn.dtype)
    _, ys = jax.lax.scan(step, h0, (jnp.swapaxes(xn, 0, 1), jnp.swapaxes(routes, 0, 1)))
    return jnp.swapaxes(ys, 0, 1)


def setup_inputs(seed: int = 0) -> dict:
    key = jax.random.key(seed)
    B, T, D = 1, 2048, 768
    E, S, H = 8, 128, 128
    ks = jax.random.split(key, 12)
    return {
        'x': jax.random.normal(ks[0], (B, T, D), dtype=jnp.float32),
        'x0': jax.random.normal(ks[1], (B, T, D), dtype=jnp.float32),
        'token_ids': jax.random.randint(ks[2], (B, T), 0, 50257, dtype=jnp.int32),
        'W_in': (jax.random.normal(ks[3], (E, D, S)) * 0.02).astype(jnp.float32),
        'W_sel_in': (jax.random.normal(ks[4], (E, D, H)) * 0.02).astype(jnp.float32),
        'W_sel_out': (jax.random.normal(ks[5], (E, H, 4 * S)) * 0.02).astype(jnp.float32),
        'W_out': (jax.random.normal(ks[6], (E, S, D)) * 0.02).astype(jnp.float32),
        'd_param': jnp.ones((E, S), dtype=jnp.float32),
        'resid_mix': jnp.stack([jnp.ones((D,)), jnp.zeros((D,))]).astype(jnp.float32),
        'ssm_scale': jnp.ones((D,), dtype=jnp.float32),
        'mlp_scale': jnp.ones((D,), dtype=jnp.float32),
        'W_mlp1': (jax.random.normal(ks[7], (D, 4 * D)) * 0.02).astype(jnp.float32),
        'W_mlp2': (jax.random.normal(ks[8], (4 * D, D)) * 0.02).astype(jnp.float32),
    }


def reference(x, x0, token_ids, W_in, W_sel_in, W_sel_out, W_out, d_param, resid_mix, ssm_scale, mlp_scale, W_mlp1, W_mlp2):
    E = W_in.shape[0]
    routes = _murmur_route(token_ids, E)
    xm = resid_mix[0][None, None, :] * x + resid_mix[1][None, None, :] * x0
    ssm_out = _hash_routed_ssm(_rms_norm(xm), routes, W_in, W_sel_in, W_sel_out, W_out, d_param)
    xm = xm + ssm_scale[None, None, :] * ssm_out
    mlp_out = jnp.square(jax.nn.relu(_rms_norm(xm) @ W_mlp1)) @ W_mlp2
    return xm + mlp_scale[None, None, :] * mlp_out

if __name__ == "__main__":
    import jax
    _d = setup_inputs()
    print(jax.jit(kernel)(*tuple(_d.values())))

</pallas_src>

<mosaic_0001>
#map = affine_map<(d0, d1) -> (0, 0)>
#map1 = affine_map<(d0, d1) -> (0)>
module attributes {stable_mosaic.version = 14 : i64} {
  func.func @_gather1_body(%arg0: i32, %arg1: i32, %arg2: memref<2048x768xf32, #tpu.memory_space<hbm>>, %arg3: memref<2048xi32, #tpu.memory_space<hbm>>, %arg4: memref<2048x768xf32, #tpu.memory_space<hbm>>, %arg5: memref<64xi32, #tpu.memory_space<vmem>>, %arg6: memref<64x768xf32, #tpu.memory_space<vmem>>, %arg7: memref<!tpu.dma_semaphore, #tpu.memory_space<semaphore_mem>>) attributes {dimension_semantics = [#tpu.dimension_semantics<core_parallel>, #tpu.dimension_semantics<subcore_parallel>], iteration_bounds = array<i64: 2, 16>, scalar_prefetch = 0 : i64, scratch_operands = 3 : i64, tpu.core_type = #tpu.core_type<sc_vector_subcore>, window_params = [{transform_indices = #map}, {transform_indices = #map1}, {transform_indices = #map}]} {
    %mul3A = arith.constant 2 : i32
    %mul3A_0 = arith.muli %arg1, %mul3A : i32
    %add3A = arith.addi %mul3A_0, %arg0 : i32
    %mul3A_1 = arith.constant 64 : i32
    %mul3A_2 = arith.muli %add3A, %mul3A_1 : i32
    "tpu.region"() ({
      %run_scoped3A = tpu.sem_alloc : memref<!tpu.dma_semaphore, #tpu.memory_space<semaphore_mem>>
      %dma_start3A_7 = tpu.memref_slice %arg3[%mul3A_2] : memref<2048xi32, #tpu.memory_space<hbm>> -> memref<64xi32, #tpu.memory_space<hbm>>
      %dma_start3A_8 = tpu.memref_slice %arg3[%mul3A_2] : memref<2048xi32, #tpu.memory_space<hbm>> -> memref<64xi32, #tpu.memory_space<hbm>>
      tpu.enqueue_dma source(%dma_start3A_8 : memref<64xi32, #tpu.memory_space<hbm>>) target(%arg5 : memref<64xi32, #tpu.memory_space<vmem>>) target_semaphore(%run_scoped3A : memref<!tpu.dma_semaphore, #tpu.memory_space<semaphore_mem>>)
      %dma_wait3A_9 = tpu.memref_slice %arg3[%mul3A_2] : memref<2048xi32, #tpu.memory_space<hbm>> -> memref<64xi32, #tpu.memory_space<hbm>>
      %dma_wait3A_10 = tpu.memref_slice %arg3[%mul3A_2] : memref<2048xi32, #tpu.memory_space<hbm>> -> memref<64xi32, #tpu.memory_space<hbm>>
      tpu.wait_dma2 semaphore(%run_scoped3A : memref<!tpu.dma_semaphore, #tpu.memory_space<semaphore_mem>>) src(%dma_wait3A_10 : memref<64xi32, #tpu.memory_space<hbm>>) dst(%arg5 : memref<64xi32, #tpu.memory_space<vmem>>)
      tpu.yield
    }) : () -> ()
    %dma_start3A = arith.constant 0 : i32
    %dma_start3A_3 = arith.constant 0 : i32
    %dma_start3A_4 = tpu.memref_slice %arg2[%dma_start3A, %dma_start3A_3] : memref<2048x768xf32, #tpu.memory_space<hbm>> -> memref<2048x768xf32, #tpu.memory_space<hbm>>
    tpu.enqueue_indirect_dma source(%dma_start3A_4 : memref<2048x768xf32, #tpu.memory_space<hbm>>) target(%arg6 : memref<64x768xf32, #tpu.memory_space<vmem>>) offsets(%arg5 : memref<64xi32, #tpu.memory_space<vmem>>) semaphore(%arg7 : memref<!tpu.dma_semaphore, #tpu.memory_space<semaphore_mem>>)
    %dma_wait3A = arith.constant 0 : i32
    %dma_wait3A_5 = arith.constant 0 : i32
    %dma_wait3A_6 = tpu.memref_slice %arg2[%dma_wait3A, %dma_wait3A_5] : memref<2048x768xf32, #tpu.memory_space<hbm>> -> memref<2048x768xf32, #tpu.memory_space<hbm>>
    tpu.wait_indirect_dma semaphore(%arg7 : memref<!tpu.dma_semaphore, #tpu.memory_space<semaphore_mem>>) src(%dma_wait3A_6 : memref<2048x768xf32, #tpu.memory_space<hbm>>) dst(%arg6 : memref<64x768xf32, #tpu.memory_space<vmem>>)
    "tpu.region"() ({
      %run_scoped3A = tpu.sem_alloc : memref<!tpu.dma_semaphore, #tpu.memory_space<semaphore_mem>>
      %dma_start3A_7 = arith.constant 0 : i32
      %dma_start3A_8 = tpu.memref_slice %arg4[%mul3A_2, %dma_start3A_7] : memref<2048x768xf32, #tpu.memory_space<hbm>> -> memref<64x768xf32, #tpu.memory_space<hbm>>
      %dma_start3A_9 = arith.constant 0 : i32
      %dma_start3A_10 = tpu.memref_slice %arg4[%mul3A_2, %dma_start3A_9] : memref<2048x768xf32, #tpu.memory_space<hbm>> -> memref<64x768xf32, #tpu.memory_space<hbm>>
      tpu.enqueue_dma source(%arg6 : memref<64x768xf32, #tpu.memory_space<vmem>>) target(%dma_start3A_10 : memref<64x768xf32, #tpu.memory_space<hbm>>) target_semaphore(%run_scoped3A : memref<!tpu.dma_semaphore, #tpu.memory_space<semaphore_mem>>)
      %dma_wait3A_11 = arith.constant 0 : i32
      %dma_wait3A_12 = tpu.memref_slice %arg4[%mul3A_2, %dma_wait3A_11] : memref<2048x768xf32, #tpu.memory_space<hbm>> -> memref<64x768xf32, #tpu.memory_space<hbm>>
      %dma_wait3A_13 = arith.constant 0 : i32
      %dma_wait3A_14 = tpu.memref_slice %arg4[%mul3A_2, %dma_wait3A_13] : memref<2048x768xf32, #tpu.memory_space<hbm>> -> memref<64x768xf32, #tpu.memory_space<hbm>>
      tpu.wait_dma2 semaphore(%run_scoped3A : memref<!tpu.dma_semaphore, #tpu.memory_space<semaphore_mem>>) src(%arg6 : memref<64x768xf32, #tpu.memory_space<vmem>>) dst(%dma_wait3A_14 : memref<64x768xf32, #tpu.memory_space<hbm>>)
      tpu.yield
    }) : () -> ()
    return
  }
}

#map = affine_map<(d0, d1) -> (0, 0)>
#map1 = affine_map<(d0, d1) -> (0)>
module attributes {stable_mosaic.version = 14 : i64} {
  func.func @_route_gather_body(%arg0: i32, %arg1: i32, %arg2: memref<2048x768xf32, #tpu.memory_space<hbm>>, %arg3: memref<2048x768xf32, #tpu.memory_space<hbm>>, %arg4: memref<2048xi32, #tpu.memory_space<hbm>>, %arg5: memref<2048xi32, #tpu.memory_space<hbm>>, %arg6: memref<2048xi32, #tpu.memory_space<hbm>>, %arg7: memref<16xi32, #tpu.memory_space<hbm>>, %arg8: memref<2048x768xf32, #tpu.memory_space<hbm>>, %arg9: memref<2048x768xf32, #tpu.memory_space<hbm>>, %arg10: memref<2048xi32, #tpu.memory_space<vmem>>, %arg11: memref<2048xi32, #tpu.memory_space<vmem>>, %arg12: memref<2048xi32, #tpu.memory_space<vmem>>, %arg13: memref<2048xi32, #tpu.memory_space<vmem>>, %arg14: memref<2048xi32, #tpu.memory_space<vmem>>, %arg15: memref<16xi32, #tpu.memory_space<vmem>>, %arg16: memref<16xi32, #tpu.memory_space<vmem>>, %arg17: memref<2048xi32, #tpu.memory_space<vmem_shared>>, %arg18: memref<64xi32, #tpu.memory_space<vmem>>, %arg19: memref<64x768xf32, #tpu.memory_space<vmem>>, %arg20: memref<64x768xf32, #tpu.memory_space<vmem>>, %arg21: memref<!tpu.dma_semaphore, #tpu.memory_space<semaphore_mem>>, %arg22: memref<!tpu.dma_semaphore, #tpu.memory_space<semaphore_mem>>) attributes {dimension_semantics = [#tpu.dimension_semantics<core_parallel>, #tpu.dimension_semantics<subcore_parallel>], iteration_bounds = array<i64: 2, 16>, scalar_prefetch = 0 : i64, scratch_operands = 13 : i64, tpu.core_type = #tpu.core_type<sc_vector_subcore>, window_params = [{transform_indices = #map}, {transform_indices = #map}, {transform_indices = #map1}, {transform_indices = #map1}, {transform_indices = #map1}, {transform_indices = #map1}, {transform_indices = #map}, {transform_indices = #map}]} {
    %eq3A = arith.constant 0 : i32
    %eq3A_0 = arith.cmpi eq, %arg1, %eq3A : i32
    %convert_element_type3A = arith.extui %eq3A_0 : i1 to i32
    %cond3A = arith.constant 0 : i32
    %cond3A_1 = arith.cmpi ne, %convert_element_type3A, %cond3A : i32
    scf.if %cond3A_1 {
      "tpu.region"() ({
        %run_scoped3A = tpu.sem_alloc : memref<!tpu.dma_semaphore, #tpu.memory_space<semaphore_mem>>
        tpu.enqueue_dma source(%arg4 : memref<2048xi32, #tpu.memory_space<hbm>>) target(%arg10 : memref<2048xi32, #tpu.memory_space<vmem>>) target_semaphore(%run_scoped3A : memref<!tpu.dma_semaphore, #tpu.memory_space<semaphore_mem>>)
        tpu.wait_dma2 semaphore(%run_scoped3A : memref<!tpu.dma_semaphore, #tpu.memory_space<semaphore_mem>>) src(%arg4 : memref<2048xi32, #tpu.memory_space<hbm>>) dst(%arg10 : memref<2048xi32, #tpu.memory_space<vmem>>)
        tpu.yield
      }) : () -> ()
      %broadcast_in_dim3A = arith.constant 0 : i32
      %broadcast_in_dim3A_22 = vector.broadcast %broadcast_in_dim3A : i32 to vector<16xi32>
      %swap3A = arith.constant 0 : index
      %swap3A_23 = tpu.vector_load %arg16[%swap3A] {strides = array<i32>} : memref<16xi32, #tpu.memory_space<vmem>>, vector<16xi32>,
      tpu.vector_store %arg16[%swap3A], %broadcast_in_dim3A_22 {strides = array<i32>} : memref<16xi32, #tpu.memory_space<vmem>>, vector<16xi32>,
      %scan3A = arith.constant 0 : i32
      %scan3A_24 = arith.constant 0 : i32
      %scan3A_25 = arith.constant 128 : i32
      %scan3A_26 = arith.addi %scan3A_24, %scan3A_25 : i32
      %scan3A_27 = arith.constant 1 : i32
      %scan3A_28 = scf.for %scan3A_44 = %scan3A_24 to %scan3A_26 step %scan3A_27 iter_args(%scan3A_45 = %scan3A) -> (i32)  : i32 {
        %mul3A_46 = arith.constant 16 : i32
        %mul3A_47 = arith.muli %scan3A_44, %mul3A_46 : i32
        %get3A_48 = arith.index_cast %mul3A_47 : i32 to index
        %get3A_49 = tpu.vector_load %arg10[%get3A_48] {strides = array<i32>} : memref<2048xi32, #tpu.memory_space<vmem>>, vector<16xi32>,
        %shift_right_logical3A = arith.constant 16 : i32
        %shift_right_logical3A_50 = vector.broadcast %shift_right_logical3A : i32 to vector<16xi32>
        %shift_right_logical3A_51 = arith.shrui %get3A_49, %shift_right_logical3A_50 : vector<16xi32>
        %xor3A = arith.xori %get3A_49, %shift_right_logical3A_51 : vector<16xi32>
        %mul3A_52 = arith.constant -2048144789 : i32
        %mul3A_53 = vector.broadcast %mul3A_52 : i32 to vector<16xi32>
        %mul3A_54 = arith.muli %xor3A, %mul3A_53 : vector<16xi32>
        %shift_right_logical3A_55 = arith.constant 13 : i32
        %shift_right_logical3A_56 = vector.broadcast %shift_right_logical3A_55 : i32 to vector<16xi32>
        %shift_right_logical3A_57 = arith.shrui %mul3A_54, %shift_right_logical3A_56 : vector<16xi32>
        %xor3A_58 = arith.xori %mul3A_54, %shift_right_logical3A_57 : vector<16xi32>
        %mul3A_59 = arith.constant -1028477387 : i32
        %mul3A_60 = vector.broadcast %mul3A_59 : i32 to vector<16xi32>
        %mul3A_61 = arith.muli %xor3A_58, %mul3A_60 : vector<16xi32>
        %shift_right_logical3A_62 = arith.constant 16 : i32
        %shift_right_logical3A_63 = vector.broadcast %shift_right_logical3A_62 : i32 to vector<16xi32>
        %shift_right_logical3A_64 = arith.shrui %mul3A_61, %shift_right_logical3A_63 : vector<16xi32>
        %xor3A_65 = arith.xori %mul3A_61, %shift_right_logical3A_64 : vector<16xi32>
        %jit3A = arith.constant 8 : i32
        %eq3A_66 = arith.constant 0 : i32
        %eq3A_67 = arith.cmpi eq, %jit3A, %eq3A_66 : i32
        %jit3A_68 = arith.constant 1 : i32
        %select_n3A = arith.select %eq3A_67, %jit3A_68, %jit3A : i32
        %rem3A = vector.broadcast %select_n3A : i32 to vector<16xi32>
        %rem3A_69 = arith.remui %xor3A_65, %rem3A : vector<16xi32>
        %ne3A = arith.constant 0 : i32
        %ne3A_70 = vector.broadcast %ne3A : i32 to vector<16xi32>
        %ne3A_71 = arith.cmpi ne, %rem3A_69, %ne3A_70 : vector<16xi32>
        %lt3A = arith.constant 0 : i32
        %lt3A_72 = vector.broadcast %lt3A : i32 to vector<16xi32>
        %lt3A_73 = arith.cmpi ult, %rem3A_69, %lt3A_72 : vector<16xi32>
        %lt3A_74 = arith.constant 0 : i32
        %lt3A_75 = arith.cmpi ult, %select_n3A, %lt3A_74 : i32
        %ne3A_76 = vector.broadcast %lt3A_75 : i1 to vector<16xi1>
        %ne3A_77 = vector.broadcast %ne3A_76 : vector<16xi1> to vector<16xi1>
        %ne3A_78 = arith.xori %lt3A_73, %ne3A_77 : vector<16xi1>
        %and3A_79 = arith.andi %ne3A_78, %ne3A_71 : vector<16xi1>
        %add3A_80 = vector.broadcast %select_n3A : i32 to vector<16xi32>
        %add3A_81 = arith.addi %rem3A_69, %add3A_80 : vector<16xi32>
        %select_n3A_82 = arith.select %and3A_79, %add3A_81, %rem3A_69 : vector<16xi1>, vector<16xi32>
        %mul3A_83 = arith.constant 16 : i32
        %mul3A_84 = arith.muli %scan3A_44, %mul3A_83 : i32
        %swap3A_85 = arith.index_cast %mul3A_84 : i32 to index
        %swap3A_86 = tpu.vector_load %arg11[%swap3A_85] {strides = array<i32>} : memref<2048xi32, #tpu.memory_space<vmem>>, vector<16xi32>,
        tpu.vector_store %arg11[%swap3A_85], %select_n3A_82 {strides = array<i32>} : memref<2048xi32, #tpu.memory_space<vmem>>, vector<16xi32>,
        %broadcast_in_dim3A_87 = arith.constant true
        %broadcast_in_dim3A_88 = vector.broadcast %broadcast_in_dim3A_87 : i1 to vector<16xi1>
        %unique3A, %unique3A_89 = tpu.scan_count mask(%broadcast_in_dim3A_88 : vector<16xi1>) value(%select_n3A_82 : vector<16xi32>) : vector<16xi1>, vector<16xi32>
        %mul3A_90 = arith.constant 16 : i32
        %mul3A_91 = arith.muli %scan3A_44, %mul3A_90 : i32
        %swap3A_92 = arith.index_cast %mul3A_91 : i32 to index
        %swap3A_93 = tpu.vector_load %arg12[%swap3A_92] {strides = array<i32>} : memref<2048xi32, #tpu.memory_space<vmem>>, vector<16xi32>,
        tpu.vector_store %arg12[%swap3A_92], %unique3A_89 {strides = array<i32>} : memref<2048xi32, #tpu.memory_space<vmem>>, vector<16xi32>,
        %gather3A = tpu.vector_load_idx %arg16[%select_n3A_82] : memref<16xi32, #tpu.memory_space<vmem>>[vector<16xi32>], vector<16xi32>,
        %add3A_94 = arith.addi %gather3A, %unique3A_89 : vector<16xi32>
        tpu.vector_store_idx %arg16[%select_n3A_82], %add3A_94 masked %unique3A : memref<16xi32, #tpu.memory_space<vmem>>[vector<16xi32>], vector<16xi32>, vector<16xi1>
        %scan3A_95 = arith.constant 0 : i32
        scf.yield %scan3A_95 : i32
      }
      %scan3A_29 = arith.constant 128 : i32
      %get3A = arith.constant 0 : index
      %get3A_30 = tpu.vector_load %arg16[%get3A] {strides = array<i32>} : memref<16xi32, #tpu.memory_space<vmem>>, vector<16xi32>,
      %broadcast_in_dim3A_31 = arith.constant true
      %broadcast_in_dim3A_32 = vector.broadcast %broadcast_in_dim3A_31 : i1 to vector<16xi1>
      %masked_cumsum3A = tpu.scan <sum>, %get3A_30 masked %broadcast_in_dim3A_32 : vector<16xi32>, vector<16xi1> -> vector<16xi32>
      %sub3A = arith.subi %masked_cumsum3A, %get3A_30 : vector<16xi32>
      %swap3A_33 = arith.constant 0 : index
      %swap3A_34 = tpu.vector_load %arg15[%swap3A_33] {strides = array<i32>} : memref<16xi32, #tpu.memory_space<vmem>>, vector<16xi32>,
      tpu.vector_store %arg15[%swap3A_33], %sub3A {strides = array<i32>} : memref<16xi32, #tpu.memory_space<vmem>>, vector<16xi32>,
      %swap3A_35 = arith.constant 0 : index
      %swap3A_36 = tpu.vector_load %arg16[%swap3A_35] {strides = array<i32>} : memref<16xi32, #tpu.memory_space<vmem>>, vector<16xi32>,
      tpu.vector_store %arg16[%swap3A_35], %sub3A {strides = array<i32>} : memref<16xi32, #tpu.memory_space<vmem>>, vector<16xi32>,
      %scan3A_37 = arith.constant 0 : i32
      %scan3A_38 = arith.constant 0 : i32
      %scan3A_39 = arith.constant 128 : i32
      %scan3A_40 = arith.addi %scan3A_38, %scan3A_39 : i32
      %scan3A_41 = arith.constant 1 : i32
      %scan3A_42 = scf.for %scan3A_44 = %scan3A_38 to %scan3A_40 step %scan3A_41 iter_args(%scan3A_45 = %scan3A_37) -> (i32)  : i32 {
        %mul3A_46 = arith.constant 16 : i32
        %mul3A_47 = arith.muli %scan3A_44, %mul3A_46 : i32
        %get3A_48 = arith.index_cast %mul3A_47 : i32 to index
        %get3A_49 = tpu.vector_load %arg11[%get3A_48] {strides = array<i32>} : memref<2048xi32, #tpu.memory_space<vmem>>, vector<16xi32>,
        %mul3A_50 = arith.constant 16 : i32
        %mul3A_51 = arith.muli %scan3A_44, %mul3A_50 : i32
        %get3A_52 = arith.index_cast %mul3A_51 : i32 to index
        %get3A_53 = tpu.vector_load %arg12[%get3A_52] {strides = array<i32>} : memref<2048xi32, #tpu.memory_space<vmem>>, vector<16xi32>,
        %gather3A = tpu.vector_load_idx %arg16[%get3A_49] : memref<16xi32, #tpu.memory_space<vmem>>[vector<16xi32>], vector<16xi32>,
        %add3A_54 = arith.addi %gather3A, %get3A_53 : vector<16xi32>
        %sub3A_55 = arith.constant 1 : i32
        %sub3A_56 = vector.broadcast %sub3A_55 : i32 to vector<16xi32>
        %sub3A_57 = arith.subi %add3A_54, %sub3A_56 : vector<16xi32>
        %mul3A_58 = arith.constant 16 : i32
        %mul3A_59 = arith.muli %scan3A_44, %mul3A_58 : i32
        %swap3A_60 = arith.index_cast %mul3A_59 : i32 to index
        %swap3A_61 = tpu.vector_load %arg13[%swap3A_60] {strides = array<i32>} : memref<2048xi32, #tpu.memory_space<vmem>>, vector<16xi32>,
        tpu.vector_store %arg13[%swap3A_60], %sub3A_57 {strides = array<i32>} : memref<2048xi32, #tpu.memory_space<vmem>>, vector<16xi32>,
        %iota3A = tpu.iota {dimensions = array<i32: 0>} : vector<16xi32>
        %mul3A_62 = arith.constant 16 : i32
        %mul3A_63 = arith.muli %scan3A_44, %mul3A_62 : i32
        %add3A_64 = vector.broadcast %mul3A_63 : i32 to vector<16xi32>
        %add3A_65 = arith.addi %iota3A, %add3A_64 : vector<16xi32>
        tpu.vector_store_idx %arg14[%sub3A_57], %add3A_65 : memref<2048xi32, #tpu.memory_space<vmem>>[vector<16xi32>], vector<16xi32>,
        %broadcast_in_dim3A_66 = arith.constant true
        %broadcast_in_dim3A_67 = vector.broadcast %broadcast_in_dim3A_66 : i1 to vector<16xi1>
        %unique3A, %unique3A_68 = tpu.scan_count mask(%broadcast_in_dim3A_67 : vector<16xi1>) value(%get3A_49 : vector<16xi32>) : vector<16xi1>, vector<16xi32>
        %add3A_69 = arith.constant 1 : i32
        %add3A_70 = vector.broadcast %add3A_69 : i32 to vector<16xi32>
        %add3A_71 = arith.addi %sub3A_57, %add3A_70 : vector<16xi32>
        tpu.vector_store_idx %arg16[%get3A_49], %add3A_71 masked %unique3A : memref<16xi32, #tpu.memory_space<vmem>>[vector<16xi32>], vector<16xi32>, vector<16xi1>
        %scan3A_72 = arith.constant 0 : i32
        scf.yield %scan3A_72 : i32
      }
      %scan3A_43 = arith.constant 128 : i32
      "tpu.region"() ({
        %run_scoped3A = tpu.sem_alloc : memref<!tpu.dma_semaphore, #tpu.memory_space<semaphore_mem>>
        tpu.enqueue_dma source(%arg14 : memref<2048xi32, #tpu.memory_space<vmem>>) target(%arg17 : memref<2048xi32, #tpu.memory_space<vmem_shared>>) target_semaphore(%run_scoped3A : memref<!tpu.dma_semaphore, #tpu.memory_space<semaphore_mem>>)
        tpu.wait_dma2 semaphore(%run_scoped3A : memref<!tpu.dma_semaphore, #tpu.memory_space<semaphore_mem>>) src(%arg14 : memref<2048xi32, #tpu.memory_space<vmem>>) dst(%arg17 : memref<2048xi32, #tpu.memory_space<vmem_shared>>)
        tpu.yield
      }) : () -> ()
    } else {
    }
    %eq3A_2 = arith.constant 0 : i32
    %eq3A_3 = arith.cmpi eq, %arg1, %eq3A_2 : i32
    %eq3A_4 = arith.constant 0 : i32
    %eq3A_5 = arith.cmpi eq, %arg0, %eq3A_4 : i32
    %and3A = arith.andi %eq3A_3, %eq3A_5 : i1
    %convert_element_type3A_6 = arith.extui %and3A : i1 to i32
    %cond3A_7 = arith.constant 0 : i32
    %cond3A_8 = arith.cmpi ne, %convert_element_type3A_6, %cond3A_7 : i32
    scf.if %cond3A_8 {
      "tpu.region"() ({
        %run_scoped3A = tpu.sem_alloc : memref<!tpu.dma_semaphore, #tpu.memory_space<semaphore_mem>>
        tpu.enqueue_dma source(%arg13 : memref<2048xi32, #tpu.memory_space<vmem>>) target(%arg5 : memref<2048xi32, #tpu.memory_space<hbm>>) target_semaphore(%run_scoped3A : memref<!tpu.dma_semaphore, #tpu.memory_space<semaphore_mem>>)
        tpu.wait_dma2 semaphore(%run_scoped3A : memref<!tpu.dma_semaphore, #tpu.memory_space<semaphore_mem>>) src(%arg13 : memref<2048xi32, #tpu.memory_space<vmem>>) dst(%arg5 : memref<2048xi32, #tpu.memory_space<hbm>>)
        tpu.yield
      }) : () -> ()
      "tpu.region"() ({
        %run_scoped3A = tpu.sem_alloc : memref<!tpu.dma_semaphore, #tpu.memory_space<semaphore_mem>>
        tpu.enqueue_dma source(%arg14 : memref<2048xi32, #tpu.memory_space<vmem>>) target(%arg6 : memref<2048xi32, #tpu.memory_space<hbm>>) target_semaphore(%run_scoped3A : memref<!tpu.dma_semaphore, #tpu.memory_space<semaphore_mem>>)
        tpu.wait_dma2 semaphore(%run_scoped3A : memref<!tpu.dma_semaphore, #tpu.memory_space<semaphore_mem>>) src(%arg14 : memref<2048xi32, #tpu.memory_space<vmem>>) dst(%arg6 : memref<2048xi32, #tpu.memory_space<hbm>>)
        tpu.yield
      }) : () -> ()
      "tpu.region"() ({
        %run_scoped3A = tpu.sem_alloc : memref<!tpu.dma_semaphore, #tpu.memory_space<semaphore_mem>>
        tpu.enqueue_dma source(%arg15 : memref<16xi32, #tpu.memory_space<vmem>>) target(%arg7 : memref<16xi32, #tpu.memory_space<hbm>>) target_semaphore(%run_scoped3A : memref<!tpu.dma_semaphore, #tpu.memory_space<semaphore_mem>>)
        tpu.wait_dma2 semaphore(%run_scoped3A : memref<!tpu.dma_semaphore, #tpu.memory_space<semaphore_mem>>) src(%arg15 : memref<16xi32, #tpu.memory_space<vmem>>) dst(%arg7 : memref<16xi32, #tpu.memory_space<hbm>>)
        tpu.yield
      }) : () -> ()
    } else {
    }
    %barrier3A = arith.constant 0 : index
    tpu.barrier barrier_id(%barrier3A)
    %mul3A = arith.constant 2 : i32
    %mul3A_9 = arith.muli %arg1, %mul3A : i32
    %add3A = arith.addi %mul3A_9, %arg0 : i32
    %mul3A_10 = arith.constant 64 : i32
    %mul3A_11 = arith.muli %add3A, %mul3A_10 : i32
    "tpu.region"() ({
      %run_scoped3A = tpu.sem_alloc : memref<!tpu.dma_semaphore, #tpu.memory_space<semaphore_mem>>
      %dma_start3A_22 = tpu.memref_slice %arg17[%mul3A_11] : memref<2048xi32, #tpu.memory_space<vmem_shared>> -> memref<64xi32, #tpu.memory_space<vmem_shared>>
      %dma_start3A_23 = tpu.memref_slice %arg17[%mul3A_11] : memref<2048xi32, #tpu.memory_space<vmem_shared>> -> memref<64xi32, #tpu.memory_space<vmem_shared>>
      tpu.enqueue_dma source(%dma_start3A_23 : memref<64xi32, #tpu.memory_space<vmem_shared>>) target(%arg18 : memref<64xi32, #tpu.memory_space<vmem>>) target_semaphore(%run_scoped3A : memref<!tpu.dma_semaphore, #tpu.memory_space<semaphore_mem>>)
      %dma_wait3A_24 = tpu.memref_slice %arg17[%mul3A_11] : memref<2048xi32, #tpu.memory_space<vmem_shared>> -> memref<64xi32, #tpu.memory_space<vmem_shared>>
      %dma_wait3A_25 = tpu.memref_slice %arg17[%mul3A_11] : memref<2048xi32, #tpu.memory_space<vmem_shared>> -> memref<64xi32, #tpu.memory_space<vmem_shared>>
      tpu.wait_dma2 semaphore(%run_scoped3A : memref<!tpu.dma_semaphore, #tpu.memory_space<semaphore_mem>>) src(%dma_wait3A_25 : memref<64xi32, #tpu.memory_space<vmem_shared>>) dst(%arg18 : memref<64xi32, #tpu.memory_space<vmem>>)
      tpu.yield
    }) : () -> ()
    %dma_start3A = arith.constant 0 : i32
    %dma_start3A_12 = arith.constant 0 : i32
    %dma_start3A_13 = tpu.memref_slice %arg2[%dma_start3A, %dma_start3A_12] : memref<2048x768xf32, #tpu.memory_space<hbm>> -> memref<2048x768xf32, #tpu.memory_space<hbm>>
    tpu.enqueue_indirect_dma source(%dma_start3A_13 : memref<2048x768xf32, #tpu.memory_space<hbm>>) target(%arg19 : memref<64x768xf32, #tpu.memory_space<vmem>>) offsets(%arg18 : memref<64xi32, #tpu.memory_space<vmem>>) semaphore(%arg21 : memref<!tpu.dma_semaphore, #tpu.memory_space<semaphore_mem>>)
    %dma_start3A_14 = arith.constant 0 : i32
    %dma_start3A_15 = arith.constant 0 : i32
    %dma_start3A_16 = tpu.memref_slice %arg3[%dma_start3A_14, %dma_start3A_15] : memref<2048x768xf32, #tpu.memory_space<hbm>> -> memref<2048x768xf32, #tpu.memory_space<hbm>>
    tpu.enqueue_indirect_dma source(%dma_start3A_16 : memref<2048x768xf32, #tpu.memory_space<hbm>>) target(%arg20 : memref<64x768xf32, #tpu.memory_space<vmem>>) offsets(%arg18 : memref<64xi32, #tpu.memory_space<vmem>>) semaphore(%arg22 : memref<!tpu.dma_semaphore, #tpu.memory_space<semaphore_mem>>)
    %dma_wait3A = arith.constant 0 : i32
    %dma_wait3A_17 = arith.constant 0 : i32
    %dma_wait3A_18 = tpu.memref_slice %arg2[%dma_wait3A, %dma_wait3A_17] : memref<2048x768xf32, #tpu.memory_space<hbm>> -> memref<2048x768xf32, #tpu.memory_space<hbm>>
    tpu.wait_indirect_dma semaphore(%arg21 : memref<!tpu.dma_semaphore, #tpu.memory_space<semaphore_mem>>) src(%dma_wait3A_18 : memref<2048x768xf32, #tpu.memory_space<hbm>>) dst(%arg19 : memref<64x768xf32, #tpu.memory_space<vmem>>)
    %dma_wait3A_19 = arith.constant 0 : i32
    %dma_wait3A_20 = arith.constant 0 : i32
    %dma_wait3A_21 = tpu.memref_slice %arg3[%dma_wait3A_19, %dma_wait3A_20] : memref<2048x768xf32, #tpu.memory_space<hbm>> -> memref<2048x768xf32, #tpu.memory_space<hbm>>
    tpu.wait_indirect_dma semaphore(%arg22 : memref<!tpu.dma_semaphore, #tpu.memory_space<semaphore_mem>>) src(%dma_wait3A_21 : memref<2048x768xf32, #tpu.memory_space<hbm>>) dst(%arg20 : memref<64x768xf32, #tpu.memory_space<vmem>>)
    "tpu.region"() ({
      %run_scoped3A = tpu.sem_alloc : memref<!tpu.dma_semaphore, #tpu.memory_space<semaphore_mem>>
      %dma_start3A_22 = arith.constant 0 : i32
      %dma_start3A_23 = tpu.memref_slice %arg8[%mul3A_11, %dma_start3A_22] : memref<2048x768xf32, #tpu.memory_space<hbm>> -> memref<64x768xf32, #tpu.memory_space<hbm>>
      %dma_start3A_24 = arith.constant 0 : i32
      %dma_start3A_25 = tpu.memref_slice %arg8[%mul3A_11, %dma_start3A_24] : memref<2048x768xf32, #tpu.memory_space<hbm>> -> memref<64x768xf32, #tpu.memory_space<hbm>>
      tpu.enqueue_dma source(%arg19 : memref<64x768xf32, #tpu.memory_space<vmem>>) target(%dma_start3A_25 : memref<64x768xf32, #tpu.memory_space<hbm>>) target_semaphore(%run_scoped3A : memref<!tpu.dma_semaphore, #tpu.memory_space<semaphore_mem>>)
      %dma_wait3A_26 = arith.constant 0 : i32
      %dma_wait3A_27 = tpu.memref_slice %arg8[%mul3A_11, %dma_wait3A_26] : memref<2048x768xf32, #tpu.memory_space<hbm>> -> memref<64x768xf32, #tpu.memory_space<hbm>>
      %dma_wait3A_28 = arith.constant 0 : i32
      %dma_wait3A_29 = tpu.memref_slice %arg8[%mul3A_11, %dma_wait3A_28] : memref<2048x768xf32, #tpu.memory_space<hbm>> -> memref<64x768xf32, #tpu.memory_space<hbm>>
      tpu.wait_dma2 semaphore(%run_scoped3A : memref<!tpu.dma_semaphore, #tpu.memory_space<semaphore_mem>>) src(%arg19 : memref<64x768xf32, #tpu.memory_space<vmem>>) dst(%dma_wait3A_29 : memref<64x768xf32, #tpu.memory_space<hbm>>)
      tpu.yield
    }) : () -> ()
    "tpu.region"() ({
      %run_scoped3A = tpu.sem_alloc : memref<!tpu.dma_semaphore, #tpu.memory_space<semaphore_mem>>
      %dma_start3A_22 = arith.constant 0 : i32
      %dma_start3A_23 = tpu.memref_slice %arg9[%mul3A_11, %dma_start3A_22] : memref<2048x768xf32, #tpu.memory_space<hbm>> -> memref<64x768xf32, #tpu.memory_space<hbm>>
      %dma_start3A_24 = arith.constant 0 : i32
      %dma_start3A_25 = tpu.memref_slice %arg9[%mul3A_11, %dma_start3A_24] : memref<2048x768xf32, #tpu.memory_space<hbm>> -> memref<64x768xf32, #tpu.memory_space<hbm>>
      tpu.enqueue_dma source(%arg20 : memref<64x768xf32, #tpu.memory_space<vmem>>) target(%dma_start3A_25 : memref<64x768xf32, #tpu.memory_space<hbm>>) target_semaphore(%run_scoped3A : memref<!tpu.dma_semaphore, #tpu.memory_space<semaphore_mem>>)
      %dma_wait3A_26 = arith.constant 0 : i32
      %dma_wait3A_27 = tpu.memref_slice %arg9[%mul3A_11, %dma_wait3A_26] : memref<2048x768xf32, #tpu.memory_space<hbm>> -> memref<64x768xf32, #tpu.memory_space<hbm>>
      %dma_wait3A_28 = arith.constant 0 : i32
      %dma_wait3A_29 = tpu.memref_slice %arg9[%mul3A_11, %dma_wait3A_28] : memref<2048x768xf32, #tpu.memory_space<hbm>> -> memref<64x768xf32, #tpu.memory_space<hbm>>
      tpu.wait_dma2 semaphore(%run_scoped3A : memref<!tpu.dma_semaphore, #tpu.memory_space<semaphore_mem>>) src(%arg20 : memref<64x768xf32, #tpu.memory_space<vmem>>) dst(%dma_wait3A_29 : memref<64x768xf32, #tpu.memory_space<hbm>>)
      tpu.yield
    }) : () -> ()
    return
  }
}

module attributes {stable_mosaic.version = 14 : i64} {
  func.func @_cast_kernel(%arg0: i32, %arg1: memref<1x768x128xf32, #tpu.memory_space<vmem>>, %arg2: memref<1x768x128xf32, #tpu.memory_space<vmem>>, %arg3: memref<1x128x512xf32, #tpu.memory_space<vmem>>, %arg4: memref<1x128x768xf32, #tpu.memory_space<vmem>>, %arg5: memref<96x3072xf32, #tpu.memory_space<vmem>>, %arg6: memref<384x768xf32, #tpu.memory_space<vmem>>, %arg7: memref<1x768x256xbf16, #tpu.memory_space<vmem>>, %arg8: memref<1x128x512xbf16, #tpu.memory_space<vmem>>, %arg9: memref<1x128x768xbf16, #tpu.memory_space<vmem>>, %arg10: memref<96x3072xbf16, #tpu.memory_space<vmem>>, %arg11: memref<384x768xbf16, #tpu.memory_space<vmem>>) attributes {dimension_semantics = [#tpu.dimension_semantics<arbitrary>], iteration_bounds = array<i64: 8>, scalar_prefetch = 0 : i64, scratch_operands = 0 : i64, tpu.core_type = #tpu.core_type<tc>, window_params = [{transform_indices = @transform_0, window_bounds = array<i64: 1, 768, 128>}, {transform_indices = @transform_1, window_bounds = array<i64: 1, 768, 128>}, {transform_indices = @transform_2, window_bounds = array<i64: 1, 128, 512>}, {transform_indices = @transform_3, window_bounds = array<i64: 1, 128, 768>}, {transform_indices = @transform_4, window_bounds = array<i64: 96, 3072>}, {transform_indices = @transform_5, window_bounds = array<i64: 384, 768>}, {transform_indices = @transform_6, window_bounds = array<i64: 1, 768, 256>}, {transform_indices = @transform_7, window_bounds = array<i64: 1, 128, 512>}, {transform_indices = @transform_8, window_bounds = array<i64: 1, 128, 768>}, {transform_indices = @transform_9, window_bounds = array<i64: 96, 3072>}, {transform_indices = @transform_10, window_bounds = array<i64: 384, 768>}]} {
    %get3A = arith.constant 0 : index
    %get3A_0 = arith.constant 0 : index
    %get3A_1 = arith.constant 0 : index
    %get3A_2 = vector.load %arg1[%get3A, %get3A_0, %get3A_1] : memref<1x768x128xf32, #tpu.memory_space<vmem>>, vector<1x768x128xf32>
    %convert_element_type3A = arith.truncf %get3A_2 : vector<1x768x128xf32> to vector<1x768x128xbf16>
    %swap3A = arith.constant 0 : index
    %swap3A_3 = arith.constant 0 : index
    %swap3A_4 = arith.constant 0 : index
    %swap3A_5 = vector.load %arg7[%swap3A, %swap3A_3, %swap3A_4] : memref<1x768x256xbf16, #tpu.memory_space<vmem>>, vector<1x768x128xbf16>
    tpu.vector_store %arg7[%swap3A, %swap3A_3, %swap3A_4], %convert_element_type3A {strides = array<i32>} : memref<1x768x256xbf16, #tpu.memory_space<vmem>>, vector<1x768x128xbf16>,
    %get3A_6 = arith.constant 0 : index
    %get3A_7 = arith.constant 0 : index
    %get3A_8 = arith.constant 0 : index
    %get3A_9 = vector.load %arg2[%get3A_6, %get3A_7, %get3A_8] : memref<1x768x128xf32, #tpu.memory_space<vmem>>, vector<1x768x128xf32>
    %convert_element_type3A_10 = arith.truncf %get3A_9 : vector<1x768x128xf32> to vector<1x768x128xbf16>
    %swap3A_11 = arith.constant 0 : index
    %swap3A_12 = arith.constant 0 : index
    %swap3A_13 = arith.constant 128 : index
    %swap3A_14 = vector.load %arg7[%swap3A_11, %swap3A_12, %swap3A_13] : memref<1x768x256xbf16, #tpu.memory_space<vmem>>, vector<1x768x128xbf16>
    tpu.vector_store %arg7[%swap3A_11, %swap3A_12, %swap3A_13], %convert_element_type3A_10 {strides = array<i32>} : memref<1x768x256xbf16, #tpu.memory_space<vmem>>, vector<1x768x128xbf16>,
    %get3A_15 = arith.constant 0 : index
    %get3A_16 = arith.constant 0 : index
    %get3A_17 = arith.constant 0 : index
    %get3A_18 = vector.load %arg3[%get3A_15, %get3A_16, %get3A_17] : memref<1x128x512xf32, #tpu.memory_space<vmem>>, vector<1x128x512xf32>
    %convert_element_type3A_19 = arith.truncf %get3A_18 : vector<1x128x512xf32> to vector<1x128x512xbf16>
    %swap3A_20 = arith.constant 0 : index
    %swap3A_21 = arith.constant 0 : index
    %swap3A_22 = arith.constant 0 : index
    %swap3A_23 = vector.load %arg8[%swap3A_20, %swap3A_21, %swap3A_22] : memref<1x128x512xbf16, #tpu.memory_space<vmem>>, vector<1x128x512xbf16>
    tpu.vector_store %arg8[%swap3A_20, %swap3A_21, %swap3A_22], %convert_element_type3A_19 {strides = array<i32>} : memref<1x128x512xbf16, #tpu.memory_space<vmem>>, vector<1x128x512xbf16>,
    %get3A_24 = arith.constant 0 : index
    %get3A_25 = arith.constant 0 : index
    %get3A_26 = arith.constant 0 : index
    %get3A_27 = vector.load %arg4[%get3A_24, %get3A_25, %get3A_26] : memref<1x128x768xf32, #tpu.memory_space<vmem>>, vector<1x128x768xf32>
    %convert_element_type3A_28 = arith.truncf %get3A_27 : vector<1x128x768xf32> to vector<1x128x768xbf16>
    %swap3A_29 = arith.constant 0 : index
    %swap3A_30 = arith.constant 0 : index
    %swap3A_31 = arith.constant 0 : index
    %swap3A_32 = vector.load %arg9[%swap3A_29, %swap3A_30, %swap3A_31] : memref<1x128x768xbf16, #tpu.memory_space<vmem>>, vector<1x128x768xbf16>
    tpu.vector_store %arg9[%swap3A_29, %swap3A_30, %swap3A_31], %convert_element_type3A_28 {strides = array<i32>} : memref<1x128x768xbf16, #tpu.memory_space<vmem>>, vector<1x128x768xbf16>,
    %get3A_33 = arith.constant 0 : index
    %get3A_34 = arith.constant 0 : index
    %get3A_35 = vector.load %arg5[%get3A_33, %get3A_34] : memref<96x3072xf32, #tpu.memory_space<vmem>>, vector<96x3072xf32>
    %convert_element_type3A_36 = arith.truncf %get3A_35 : vector<96x3072xf32> to vector<96x3072xbf16>
    %swap3A_37 = arith.constant 0 : index
    %swap3A_38 = arith.constant 0 : index
    %swap3A_39 = vector.load %arg10[%swap3A_37, %swap3A_38] : memref<96x3072xbf16, #tpu.memory_space<vmem>>, vector<96x3072xbf16>
    tpu.vector_store %arg10[%swap3A_37, %swap3A_38], %convert_element_type3A_36 {strides = array<i32>} : memref<96x3072xbf16, #tpu.memory_space<vmem>>, vector<96x3072xbf16>,
    %get3A_40 = arith.constant 0 : index
    %get3A_41 = arith.constant 0 : index
    %get3A_42 = vector.load %arg6[%get3A_40, %get3A_41] : memref<384x768xf32, #tpu.memory_space<vmem>>, vector<384x768xf32>
    %convert_element_type3A_43 = arith.truncf %get3A_42 : vector<384x768xf32> to vector<384x768xbf16>
    %swap3A_44 = arith.constant 0 : index
    %swap3A_45 = arith.constant 0 : index
    %swap3A_46 = vector.load %arg11[%swap3A_44, %swap3A_45] : memref<384x768xbf16, #tpu.memory_space<vmem>>, vector<384x768xbf16>
    tpu.vector_store %arg11[%swap3A_44, %swap3A_45], %convert_element_type3A_43 {strides = array<i32>} : memref<384x768xbf16, #tpu.memory_space<vmem>>, vector<384x768xbf16>,
    return
  }
  func.func @transform_0(%arg0: i32) -> (i32, i32, i32) {
    %c0_i32 = arith.constant 0 : i32
    %c0_i32_0 = arith.constant 0 : i32
    %c0_i32_1 = arith.constant 0 : i32
    return %arg0, %c0_i32, %c0_i32_0 : i32, i32, i32
  }
  func.func @transform_1(%arg0: i32) -> (i32, i32, i32) {
    %c0_i32 = arith.constant 0 : i32
    %c0_i32_0 = arith.constant 0 : i32
    %c0_i32_1 = arith.constant 0 : i32
    return %arg0, %c0_i32, %c0_i32_0 : i32, i32, i32
  }
  func.func @transform_2(%arg0: i32) -> (i32, i32, i32) {
    %c0_i32 = arith.constant 0 : i32
    %c0_i32_0 = arith.constant 0 : i32
    %c0_i32_1 = arith.constant 0 : i32
    return %arg0, %c0_i32, %c0_i32_0 : i32, i32, i32
  }
  func.func @transform_3(%arg0: i32) -> (i32, i32, i32) {
    %c0_i32 = arith.constant 0 : i32
    %c0_i32_0 = arith.constant 0 : i32
    %c0_i32_1 = arith.constant 0 : i32
    return %arg0, %c0_i32, %c0_i32_0 : i32, i32, i32
  }
  func.func @transform_4(%arg0: i32) -> (i32, i32) {
    %c0_i32 = arith.constant 0 : i32
    %c0_i32_0 = arith.constant 0 : i32
    return %arg0, %c0_i32 : i32, i32
  }
  func.func @transform_5(%arg0: i32) -> (i32, i32) {
    %c0_i32 = arith.constant 0 : i32
    %c0_i32_0 = arith.constant 0 : i32
    return %arg0, %c0_i32 : i32, i32
  }
  func.func @transform_6(%arg0: i32) -> (i32, i32, i32) {
    %c0_i32 = arith.constant 0 : i32
    %c0_i32_0 = arith.constant 0 : i32
    %c0_i32_1 = arith.constant 0 : i32
    return %arg0, %c0_i32, %c0_i32_0 : i32, i32, i32
  }
  func.func @transform_7(%arg0: i32) -> (i32, i32, i32) {
    %c0_i32 = arith.constant 0 : i32
    %c0_i32_0 = arith.constant 0 : i32
    %c0_i32_1 = arith.constant 0 : i32
    return %arg0, %c0_i32, %c0_i32_0 : i32, i32, i32
  }
  func.func @transform_8(%arg0: i32) -> (i32, i32, i32) {
    %c0_i32 = arith.constant 0 : i32
    %c0_i32_0 = arith.constant 0 : i32
    %c0_i32_1 = arith.constant 0 : i32
    return %arg0, %c0_i32, %c0_i32_0 : i32, i32, i32
  }
  func.func @transform_9(%arg0: i32) -> (i32, i32) {
    %c0_i32 = arith.constant 0 : i32
    %c0_i32_0 = arith.constant 0 : i32
    return %arg0, %c0_i32 : i32, i32
  }
  func.func @transform_10(%arg0: i32) -> (i32, i32) {
    %c0_i32 = arith.constant 0 : i32
    %c0_i32_0 = arith.constant 0 : i32
    return %arg0, %c0_i32 : i32, i32
  }
}

module attributes {stable_mosaic.version = 14 : i64} {
  func.func @_ssm_kernel(%arg0: i32, %arg1: memref<256x768xf32, #tpu.memory_space<vmem>>, %arg2: memref<256x768xf32, #tpu.memory_space<vmem>>, %arg3: memref<1x16xi32, #tpu.memory_space<smem>>, %arg4: memref<2x768xf32, #tpu.memory_space<vmem>>, %arg5: memref<8x768x256xbf16, #tpu.memory_space<vmem>>, %arg6: memref<8x128x512xbf16, #tpu.memory_space<vmem>>, %arg7: memref<8x128x768xbf16, #tpu.memory_space<vmem>>, %arg8: memref<8x128xf32, #tpu.memory_space<vmem>>, %arg9: memref<1x768xf32, #tpu.memory_space<vmem>>, %arg10: memref<1x768xf32, #tpu.memory_space<vmem>>, %arg11: memref<768x3072xbf16, #tpu.memory_space<vmem>>, %arg12: memref<3072x768xbf16, #tpu.memory_space<vmem>>, %arg13: memref<256x768xf32, #tpu.memory_space<vmem>>, %arg14: memref<8x128xf32, #tpu.memory_space<vmem>>) attributes {dimension_semantics = [#tpu.dimension_semantics<arbitrary>], iteration_bounds = array<i64: 8>, scalar_prefetch = 0 : i64, scratch_operands = 1 : i64, tpu.core_type = #tpu.core_type<tc>, window_params = [{transform_indices = @transform_0, window_bounds = array<i64: 256, 768>}, {transform_indices = @transform_1, window_bounds = array<i64: 256, 768>}, {transform_indices = @transform_2, window_bounds = array<i64: 1, 16>}, {pipeline_mode = #tpu.pipeline_mode<synchronous>, transform_indices = @transform_3, window_bounds = array<i64: 2, 768>}, {pipeline_mode = #tpu.pipeline_mode<synchronous>, transform_indices = @transform_4, window_bounds = array<i64: 8, 768, 256>}, {pipeline_mode = #tpu.pipeline_mode<synchronous>, transform_indices = @transform_5, window_bounds = array<i64: 8, 128, 512>}, {pipeline_mode = #tpu.pipeline_mode<synchronous>, transform_indices = @transform_6, window_bounds = array<i64: 8, 128, 768>}, {pipeline_mode = #tpu.pipeline_mode<synchronous>, transform_indices = @transform_7, window_bounds = array<i64: 8, 128>}, {pipeline_mode = #tpu.pipeline_mode<synchronous>, transform_indices = @transform_8, window_bounds = array<i64: 1, 768>}, {pipeline_mode = #tpu.pipeline_mode<synchronous>, transform_indices = @transform_9, window_bounds = array<i64: 1, 768>}, {pipeline_mode = #tpu.pipeline_mode<synchronous>, transform_indices = @transform_10, window_bounds = array<i64: 768, 3072>}, {pipeline_mode = #tpu.pipeline_mode<synchronous>, transform_indices = @transform_11, window_bounds = array<i64: 3072, 768>}, {transform_indices = @transform_12, window_bounds = array<i64: 256, 768>}]} {
    %eq3A = arith.constant 0 : i32
    %eq3A_0 = arith.cmpi eq, %arg0, %eq3A : i32
    %convert_element_type3A = arith.extui %eq3A_0 : i1 to i32
    %cond3A = arith.constant 0 : i32
    %cond3A_1 = arith.cmpi ne, %convert_element_type3A, %cond3A : i32
    scf.if %cond3A_1 {
      %broadcast_in_dim3A_471 = arith.constant 0.000000e+00 : f32
      %broadcast_in_dim3A_472 = vector.broadcast %broadcast_in_dim3A_471 : f32 to vector<8x128xf32>
      %swap3A_473 = arith.constant 0 : index
      %swap3A_474 = arith.constant 0 : index
      %swap3A_475 = vector.load %arg14[%swap3A_473, %swap3A_474] : memref<8x128xf32, #tpu.memory_space<vmem>>, vector<8x128xf32>
      tpu.vector_store %arg14[%swap3A_473, %swap3A_474], %broadcast_in_dim3A_472 {strides = array<i32>} : memref<8x128xf32, #tpu.memory_space<vmem>>, vector<8x128xf32>,
    } else {
    }
    %get3A = arith.constant 0 : index
    %get3A_2 = arith.constant 0 : index
    %get3A_3 = vector.load %arg4[%get3A, %get3A_2] : memref<2x768xf32, #tpu.memory_space<vmem>>, vector<1x768xf32>
    %get3A_4 = arith.constant 0 : index
    %get3A_5 = arith.constant 0 : index
    %get3A_6 = vector.load %arg1[%get3A_4, %get3A_5] : memref<256x768xf32, #tpu.memory_space<vmem>>, vector<256x768xf32>
    %mul3A = vector.broadcast %get3A_3 : vector<1x768xf32> to vector<256x768xf32>
    %mul3A_7 = arith.mulf %mul3A, %get3A_6 : vector<256x768xf32>
    %get3A_8 = arith.constant 1 : index
    %get3A_9 = arith.constant 0 : index
    %get3A_10 = vector.load %arg4[%get3A_8, %get3A_9] : memref<2x768xf32, #tpu.memory_space<vmem>>, vector<1x768xf32>
    %get3A_11 = arith.constant 0 : index
    %get3A_12 = arith.constant 0 : index
    %get3A_13 = vector.load %arg2[%get3A_11, %get3A_12] : memref<256x768xf32, #tpu.memory_space<vmem>>, vector<256x768xf32>
    %mul3A_14 = vector.broadcast %get3A_10 : vector<1x768xf32> to vector<256x768xf32>
    %mul3A_15 = arith.mulf %mul3A_14, %get3A_13 : vector<256x768xf32>
    %add3A = arith.addf %mul3A_7, %mul3A_15 : vector<256x768xf32>
    %mul3A_16 = arith.mulf %add3A, %add3A : vector<256x768xf32>
    %reduce_sum3A = arith.constant dense<0.000000e+00> : vector<256xf32>
    %reduce_sum3A_17 = vector.multi_reduction <add>, %mul3A_16, %reduce_sum3A [1] : vector<256x768xf32> to vector<256xf32>
    %broadcast_in_dim3A = vector.shape_cast %reduce_sum3A_17 : vector<256xf32> to vector<256x1xf32>
    %div3A = arith.constant 7.680000e+02 : f32
    %div3A_18 = vector.broadcast %div3A : f32 to vector<256x1xf32>
    %div3A_19 = arith.divf %broadcast_in_dim3A, %div3A_18 : vector<256x1xf32>
    %add3A_20 = arith.constant 9.99999997E-7 : f32
    %add3A_21 = vector.broadcast %add3A_20 : f32 to vector<256x1xf32>
    %add3A_22 = arith.addf %div3A_19, %add3A_21 : vector<256x1xf32>
    %rsqrt3A = math.rsqrt %add3A_22 : vector<256x1xf32>
    %mul3A_23 = vector.broadcast %rsqrt3A : vector<256x1xf32> to vector<256x768xf32>
    %mul3A_24 = arith.mulf %add3A, %mul3A_23 : vector<256x768xf32>
    %convert_element_type3A_25 = arith.truncf %mul3A_24 : vector<256x768xf32> to vector<256x768xbf16>
    %mul3A_26 = arith.constant 256 : i32
    %mul3A_27 = arith.muli %arg0, %mul3A_26 : i32
    %add3A_28 = arith.constant 256 : i32
    %add3A_29 = arith.addi %mul3A_27, %add3A_28 : i32
    %sub3A = arith.constant 1 : i32
    %sub3A_30 = arith.subi %add3A_29, %sub3A : i32
    %iota3A = tpu.iota {dimensions = array<i32: 0>} : vector<256x1xi32>
    %add3A_31 = vector.broadcast %mul3A_27 : i32 to vector<256x1xi32>
    %add3A_32 = arith.addi %iota3A, %add3A_31 : vector<256x1xi32>
    %get3A_33 = arith.constant 0 : index
    %get3A_34 = arith.constant 1 : index
    %get3A_35 = memref.load %arg3[%get3A_33, %get3A_34] : memref<1x16xi32, #tpu.memory_space<smem>>
    %le3A = arith.cmpi sle, %get3A_35, %mul3A_27 : i32
    %jit3A = arith.constant 1 : i32
    %jit3A_36 = arith.constant 0 : i32
    %select_n3A = arith.select %le3A, %jit3A, %jit3A_36 : i32
    %le3A_37 = arith.cmpi sle, %get3A_35, %sub3A_30 : i32
    %jit3A_38 = arith.constant 1 : i32
    %jit3A_39 = arith.constant 0 : i32
    %select_n3A_40 = arith.select %le3A_37, %jit3A_38, %jit3A_39 : i32
    %get3A_41 = arith.constant 0 : index
    %get3A_42 = arith.constant 2 : index
    %get3A_43 = memref.load %arg3[%get3A_41, %get3A_42] : memref<1x16xi32, #tpu.memory_space<smem>>
    %le3A_44 = arith.cmpi sle, %get3A_43, %mul3A_27 : i32
    %jit3A_45 = arith.constant 2 : i32
    %select_n3A_46 = arith.select %le3A_44, %jit3A_45, %select_n3A : i32
    %le3A_47 = arith.cmpi sle, %get3A_43, %sub3A_30 : i32
    %jit3A_48 = arith.constant 2 : i32
    %select_n3A_49 = arith.select %le3A_47, %jit3A_48, %select_n3A_40 : i32
    %get3A_50 = arith.constant 0 : index
    %get3A_51 = arith.constant 3 : index
    %get3A_52 = memref.load %arg3[%get3A_50, %get3A_51] : memref<1x16xi32, #tpu.memory_space<smem>>
    %le3A_53 = arith.cmpi sle, %get3A_52, %mul3A_27 : i32
    %jit3A_54 = arith.constant 3 : i32
    %select_n3A_55 = arith.select %le3A_53, %jit3A_54, %select_n3A_46 : i32
    %le3A_56 = arith.cmpi sle, %get3A_52, %sub3A_30 : i32
    %jit3A_57 = arith.constant 3 : i32
    %select_n3A_58 = arith.select %le3A_56, %jit3A_57, %select_n3A_49 : i32
    %get3A_59 = arith.constant 0 : index
    %get3A_60 = arith.constant 4 : index
    %get3A_61 = memref.load %arg3[%get3A_59, %get3A_60] : memref<1x16xi32, #tpu.memory_space<smem>>
    %le3A_62 = arith.cmpi sle, %get3A_61, %mul3A_27 : i32
    %jit3A_63 = arith.constant 4 : i32
    %select_n3A_64 = arith.select %le3A_62, %jit3A_63, %select_n3A_55 : i32
    %le3A_65 = arith.cmpi sle, %get3A_61, %sub3A_30 : i32
    %jit3A_66 = arith.constant 4 : i32
    %select_n3A_67 = arith.select %le3A_65, %jit3A_66, %select_n3A_58 : i32
    %get3A_68 = arith.constant 0 : index
    %get3A_69 = arith.constant 5 : index
    %get3A_70 = memref.load %arg3[%get3A_68, %get3A_69] : memref<1x16xi32, #tpu.memory_space<smem>>
    %le3A_71 = arith.cmpi sle, %get3A_70, %mul3A_27 : i32
    %jit3A_72 = arith.constant 5 : i32
    %select_n3A_73 = arith.select %le3A_71, %jit3A_72, %select_n3A_64 : i32
    %le3A_74 = arith.cmpi sle, %get3A_70, %sub3A_30 : i32
    %jit3A_75 = arith.constant 5 : i32
    %select_n3A_76 = arith.select %le3A_74, %jit3A_75, %select_n3A_67 : i32
    %get3A_77 = arith.constant 0 : index
    %get3A_78 = arith.constant 6 : index
    %get3A_79 = memref.load %arg3[%get3A_77, %get3A_78] : memref<1x16xi32, #tpu.memory_space<smem>>
    %le3A_80 = arith.cmpi sle, %get3A_79, %mul3A_27 : i32
    %jit3A_81 = arith.constant 6 : i32
    %select_n3A_82 = arith.select %le3A_80, %jit3A_81, %select_n3A_73 : i32
    %le3A_83 = arith.cmpi sle, %get3A_79, %sub3A_30 : i32
    %jit3A_84 = arith.constant 6 : i32
    %select_n3A_85 = arith.select %le3A_83, %jit3A_84, %select_n3A_76 : i32
    %get3A_86 = arith.constant 0 : index
    %get3A_87 = arith.constant 7 : index
    %get3A_88 = memref.load %arg3[%get3A_86, %get3A_87] : memref<1x16xi32, #tpu.memory_space<smem>>
    %le3A_89 = arith.cmpi sle, %get3A_88, %mul3A_27 : i32
    %jit3A_90 = arith.constant 7 : i32
    %select_n3A_91 = arith.select %le3A_89, %jit3A_90, %select_n3A_82 : i32
    %le3A_92 = arith.cmpi sle, %get3A_88, %sub3A_30 : i32
    %jit3A_93 = arith.constant 7 : i32
    %select_n3A_94 = arith.select %le3A_92, %jit3A_93, %select_n3A_85 : i32
    %add3A_95 = arith.constant 1 : i32
    %add3A_96 = arith.addi %select_n3A_94, %add3A_95 : i32
    %broadcast_in_dim3A_97 = arith.constant 0.000000e+00 : f32
    %broadcast_in_dim3A_98 = vector.broadcast %broadcast_in_dim3A_97 : f32 to vector<256x256xf32>
    %while3A = arith.subi %add3A_96, %select_n3A_91 : i32
    %while3A_99 = arith.addi %select_n3A_91, %while3A : i32
    %while3A_100 = arith.constant 1 : i32
    %while3A_101 = arith.divsi %while3A, %while3A_100 : i32
    %while3A_102 = arith.muli %while3A_101, %while3A_100 : i32
    %while3A_103 = arith.addi %select_n3A_91, %while3A_102 : i32
    %while3A_104 = arith.constant 1 : i32
    %while3A_105 = scf.for %while3A_471 = %select_n3A_91 to %while3A_103 step %while3A_104 iter_args(%while3A_472 = %broadcast_in_dim3A_98) -> (vector<256x256xf32>)  : i32 {
      %get3A_473 = arith.constant 0 : index
      %get3A_474 = arith.index_cast %while3A_471 : i32 to index
      %get3A_475 = memref.load %arg3[%get3A_473, %get3A_474] : memref<1x16xi32, #tpu.memory_space<smem>>
      %add3A_476 = arith.constant 1 : i32
      %add3A_477 = arith.addi %while3A_471, %add3A_476 : i32
      %get3A_478 = arith.constant 0 : index
      %get3A_479 = arith.index_cast %add3A_477 : i32 to index
      %get3A_480 = memref.load %arg3[%get3A_478, %get3A_479] : memref<1x16xi32, #tpu.memory_space<smem>>
      %ge3A_481 = vector.broadcast %get3A_475 : i32 to vector<256x1xi32>
      %ge3A_482 = arith.cmpi sge, %add3A_32, %ge3A_481 : vector<256x1xi32>
      %lt3A = vector.broadcast %get3A_480 : i32 to vector<256x1xi32>
      %lt3A_483 = arith.cmpi slt, %add3A_32, %lt3A : vector<256x1xi32>
      %and3A = arith.andi %ge3A_482, %lt3A_483 : vector<256x1xi1>
      %convert_element_type3A_484 = arith.extui %and3A : vector<256x1xi1> to vector<256x1xi32>
      %convert_element_type3A_485 = arith.sitofp %convert_element_type3A_484 : vector<256x1xi32> to vector<256x1xf32>
      %get3A_486 = arith.index_cast %while3A_471 : i32 to index
      %get3A_487 = arith.constant 0 : index
      %get3A_488 = arith.constant 0 : index
      %get3A_489 = vector.load %arg5[%get3A_486, %get3A_487, %get3A_488] : memref<8x768x256xbf16, #tpu.memory_space<vmem>>, vector<1x768x256xbf16>
      %squeeze3A = vector.shape_cast %get3A_489 : vector<1x768x256xbf16> to vector<768x256xbf16>
      %dot_general3A_490 = arith.constant dense<0.000000e+00> : vector<256x256xf32>
      %dot_general3A_491 = tpu.matmul %convert_element_type3A_25, %squeeze3A, %dot_general3A_490 {dimension_numbers = #tpu.dot_dimension_numbers<[1], [0], [0], [1], [0, 0, 1, 1], [], []>, transpose_lhs_hint = false} : vector<256x768xbf16>, vector<768x256xbf16>, vector<256x256xf32> -> vector<256x256xf32>
      %mul3A_492 = vector.broadcast %convert_element_type3A_485 : vector<256x1xf32> to vector<256x256xf32>
      %mul3A_493 = arith.mulf %mul3A_492, %dot_general3A_491 : vector<256x256xf32>
      %add3A_494 = arith.addf %while3A_472, %mul3A_493 : vector<256x256xf32>
      scf.yield %add3A_494 : vector<256x256xf32>
    }
    %while3A_106 = arith.constant 1 : i32
    %while3A_107 = scf.for %while3A_471 = %while3A_103 to %while3A_99 step %while3A_106 iter_args(%while3A_472 = %while3A_105) -> (vector<256x256xf32>)  : i32 {
      %get3A_473 = arith.constant 0 : index
      %get3A_474 = arith.index_cast %while3A_471 : i32 to index
      %get3A_475 = memref.load %arg3[%get3A_473, %get3A_474] : memref<1x16xi32, #tpu.memory_space<smem>>
      %add3A_476 = arith.constant 1 : i32
      %add3A_477 = arith.addi %while3A_471, %add3A_476 : i32
      %get3A_478 = arith.constant 0 : index
      %get3A_479 = arith.index_cast %add3A_477 : i32 to index
      %get3A_480 = memref.load %arg3[%get3A_478, %get3A_479] : memref<1x16xi32, #tpu.memory_space<smem>>
      %ge3A_481 = vector.broadcast %get3A_475 : i32 to vector<256x1xi32>
      %ge3A_482 = arith.cmpi sge, %add3A_32, %ge3A_481 : vector<256x1xi32>
      %lt3A = vector.broadcast %get3A_480 : i32 to vector<256x1xi32>
      %lt3A_483 = arith.cmpi slt, %add3A_32, %lt3A : vector<256x1xi32>
      %and3A = arith.andi %ge3A_482, %lt3A_483 : vector<256x1xi1>
      %convert_element_type3A_484 = arith.extui %and3A : vector<256x1xi1> to vector<256x1xi32>
      %convert_element_type3A_485 = arith.sitofp %convert_element_type3A_484 : vector<256x1xi32> to vector<256x1xf32>
      %get3A_486 = arith.index_cast %while3A_471 : i32 to index
      %get3A_487 = arith.constant 0 : index
      %get3A_488 = arith.constant 0 : index
      %get3A_489 = vector.load %arg5[%get3A_486, %get3A_487, %get3A_488] : memref<8x768x256xbf16, #tpu.memory_space<vmem>>, vector<1x768x256xbf16>
      %squeeze3A = vector.shape_cast %get3A_489 : vector<1x768x256xbf16> to vector<768x256xbf16>
      %dot_general3A_490 = arith.constant dense<0.000000e+00> : vector<256x256xf32>
      %dot_general3A_491 = tpu.matmul %convert_element_type3A_25, %squeeze3A, %dot_general3A_490 {dimension_numbers = #tpu.dot_dimension_numbers<[1], [0], [0], [1], [0, 0, 1, 1], [], []>, transpose_lhs_hint = false} : vector<256x768xbf16>, vector<768x256xbf16>, vector<256x256xf32> -> vector<256x256xf32>
      %mul3A_492 = vector.broadcast %convert_element_type3A_485 : vector<256x1xf32> to vector<256x256xf32>
      %mul3A_493 = arith.mulf %mul3A_492, %dot_general3A_491 : vector<256x256xf32>
      %add3A_494 = arith.addf %while3A_472, %mul3A_493 : vector<256x256xf32>
      scf.yield %add3A_494 : vector<256x256xf32>
    }
    %slice3A = vector.extract_strided_slice %while3A_107 {offsets = [0, 0], sizes = [256, 128], strides = [1, 1]} : vector<256x256xf32> to vector<256x128xf32>
    %slice3A_108 = vector.extract_strided_slice %while3A_107 {offsets = [0, 128], sizes = [256, 128], strides = [1, 1]} : vector<256x256xf32> to vector<256x128xf32>
    %logistic3A = arith.negf %slice3A_108 : vector<256x128xf32>
    %logistic3A_109 = math.exp %logistic3A : vector<256x128xf32>
    %logistic3A_110 = arith.constant 1.000000e+00 : f32
    %logistic3A_111 = vector.broadcast %logistic3A_110 : f32 to vector<256x128xf32>
    %logistic3A_112 = arith.addf %logistic3A_111, %logistic3A_109 : vector<256x128xf32>
    %logistic3A_113 = arith.divf %logistic3A_111, %logistic3A_112 : vector<256x128xf32>
    %mul3A_114 = arith.mulf %slice3A_108, %logistic3A_113 : vector<256x128xf32>
    %convert_element_type3A_115 = arith.truncf %mul3A_114 : vector<256x128xf32> to vector<256x128xbf16>
    %add3A_116 = arith.constant 1 : i32
    %add3A_117 = arith.addi %select_n3A_94, %add3A_116 : i32
    %broadcast_in_dim3A_118 = arith.constant 0.000000e+00 : f32
    %broadcast_in_dim3A_119 = vector.broadcast %broadcast_in_dim3A_118 : f32 to vector<256x512xf32>
    %broadcast_in_dim3A_120 = arith.constant 0.000000e+00 : f32
    %broadcast_in_dim3A_121 = vector.broadcast %broadcast_in_dim3A_120 : f32 to vector<256x128xf32>
    %while3A_122 = arith.subi %add3A_117, %select_n3A_91 : i32
    %while3A_123 = arith.addi %select_n3A_91, %while3A_122 : i32
    %while3A_124 = arith.constant 1 : i32
    %while3A_125 = arith.divsi %while3A_122, %while3A_124 : i32
    %while3A_126 = arith.muli %while3A_125, %while3A_124 : i32
    %while3A_127 = arith.addi %select_n3A_91, %while3A_126 : i32
    %while3A_128 = arith.constant 1 : i32
    %while3A_129:2 = scf.for %while3A_471 = %select_n3A_91 to %while3A_127 step %while3A_128 iter_args(%while3A_472 = %broadcast_in_dim3A_119, %while3A_473 = %broadcast_in_dim3A_121) -> (vector<256x512xf32>, vector<256x128xf32>)  : i32 {
      %get3A_474 = arith.constant 0 : index
      %get3A_475 = arith.index_cast %while3A_471 : i32 to index
      %get3A_476 = memref.load %arg3[%get3A_474, %get3A_475] : memref<1x16xi32, #tpu.memory_space<smem>>
      %add3A_477 = arith.constant 1 : i32
      %add3A_478 = arith.addi %while3A_471, %add3A_477 : i32
      %get3A_479 = arith.constant 0 : index
      %get3A_480 = arith.index_cast %add3A_478 : i32 to index
      %get3A_481 = memref.load %arg3[%get3A_479, %get3A_480] : memref<1x16xi32, #tpu.memory_space<smem>>
      %ge3A_482 = vector.broadcast %get3A_476 : i32 to vector<256x1xi32>
      %ge3A_483 = arith.cmpi sge, %add3A_32, %ge3A_482 : vector<256x1xi32>
      %lt3A = vector.broadcast %get3A_481 : i32 to vector<256x1xi32>
      %lt3A_484 = arith.cmpi slt, %add3A_32, %lt3A : vector<256x1xi32>
      %and3A = arith.andi %ge3A_483, %lt3A_484 : vector<256x1xi1>
      %convert_element_type3A_485 = arith.extui %and3A : vector<256x1xi1> to vector<256x1xi32>
      %convert_element_type3A_486 = arith.sitofp %convert_element_type3A_485 : vector<256x1xi32> to vector<256x1xf32>
      %get3A_487 = arith.index_cast %while3A_471 : i32 to index
      %get3A_488 = arith.constant 0 : index
      %get3A_489 = arith.constant 0 : index
      %get3A_490 = vector.load %arg6[%get3A_487, %get3A_488, %get3A_489] : memref<8x128x512xbf16, #tpu.memory_space<vmem>>, vector<1x128x512xbf16>
      %squeeze3A = vector.shape_cast %get3A_490 : vector<1x128x512xbf16> to vector<128x512xbf16>
      %dot_general3A_491 = arith.constant dense<0.000000e+00> : vector<256x512xf32>
      %dot_general3A_492 = tpu.matmul %convert_element_type3A_115, %squeeze3A, %dot_general3A_491 {dimension_numbers = #tpu.dot_dimension_numbers<[1], [0], [0], [1], [0, 0, 1, 1], [], []>, transpose_lhs_hint = false} : vector<256x128xbf16>, vector<128x512xbf16>, vector<256x512xf32> -> vector<256x512xf32>
      %mul3A_493 = vector.broadcast %convert_element_type3A_486 : vector<256x1xf32> to vector<256x512xf32>
      %mul3A_494 = arith.mulf %mul3A_493, %dot_general3A_492 : vector<256x512xf32>
      %add3A_495 = arith.addf %while3A_472, %mul3A_494 : vector<256x512xf32>
      %get3A_496 = arith.index_cast %while3A_471 : i32 to index
      %get3A_497 = arith.constant 0 : index
      %get3A_498 = vector.load %arg8[%get3A_496, %get3A_497] : memref<8x128xf32, #tpu.memory_space<vmem>>, vector<1x128xf32>
      %mul3A_499 = vector.broadcast %convert_element_type3A_486 : vector<256x1xf32> to vector<256x128xf32>
      %mul3A_500 = vector.broadcast %get3A_498 : vector<1x128xf32> to vector<256x128xf32>
      %mul3A_501 = arith.mulf %mul3A_499, %mul3A_500 : vector<256x128xf32>
      %add3A_502 = arith.addf %while3A_473, %mul3A_501 : vector<256x128xf32>
      scf.yield %add3A_495, %add3A_502 : vector<256x512xf32>, vector<256x128xf32>
    }
    %while3A_130 = arith.constant 1 : i32
    %while3A_131:2 = scf.for %while3A_471 = %while3A_127 to %while3A_123 step %while3A_130 iter_args(%while3A_472 = %while3A_129#0, %while3A_473 = %while3A_129#1) -> (vector<256x512xf32>, vector<256x128xf32>)  : i32 {
      %get3A_474 = arith.constant 0 : index
      %get3A_475 = arith.index_cast %while3A_471 : i32 to index
      %get3A_476 = memref.load %arg3[%get3A_474, %get3A_475] : memref<1x16xi32, #tpu.memory_space<smem>>
      %add3A_477 = arith.constant 1 : i32
      %add3A_478 = arith.addi %while3A_471, %add3A_477 : i32
      %get3A_479 = arith.constant 0 : index
      %get3A_480 = arith.index_cast %add3A_478 : i32 to index
      %get3A_481 = memref.load %arg3[%get3A_479, %get3A_480] : memref<1x16xi32, #tpu.memory_space<smem>>
      %ge3A_482 = vector.broadcast %get3A_476 : i32 to vector<256x1xi32>
      %ge3A_483 = arith.cmpi sge, %add3A_32, %ge3A_482 : vector<256x1xi32>
      %lt3A = vector.broadcast %get3A_481 : i32 to vector<256x1xi32>
      %lt3A_484 = arith.cmpi slt, %add3A_32, %lt3A : vector<256x1xi32>
      %and3A = arith.andi %ge3A_483, %lt3A_484 : vector<256x1xi1>
      %convert_element_type3A_485 = arith.extui %and3A : vector<256x1xi1> to vector<256x1xi32>
      %convert_element_type3A_486 = arith.sitofp %convert_element_type3A_485 : vector<256x1xi32> to vector<256x1xf32>
      %get3A_487 = arith.index_cast %while3A_471 : i32 to index
      %get3A_488 = arith.constant 0 : index
      %get3A_489 = arith.constant 0 : index
      %get3A_490 = vector.load %arg6[%get3A_487, %get3A_488, %get3A_489] : memref<8x128x512xbf16, #tpu.memory_space<vmem>>, vector<1x128x512xbf16>
      %squeeze3A = vector.shape_cast %get3A_490 : vector<1x128x512xbf16> to vector<128x512xbf16>
      %dot_general3A_491 = arith.constant dense<0.000000e+00> : vector<256x512xf32>
      %dot_general3A_492 = tpu.matmul %convert_element_type3A_115, %squeeze3A, %dot_general3A_491 {dimension_numbers = #tpu.dot_dimension_numbers<[1], [0], [0], [1], [0, 0, 1, 1], [], []>, transpose_lhs_hint = false} : vector<256x128xbf16>, vector<128x512xbf16>, vector<256x512xf32> -> vector<256x512xf32>
      %mul3A_493 = vector.broadcast %convert_element_type3A_486 : vector<256x1xf32> to vector<256x512xf32>
      %mul3A_494 = arith.mulf %mul3A_493, %dot_general3A_492 : vector<256x512xf32>
      %add3A_495 = arith.addf %while3A_472, %mul3A_494 : vector<256x512xf32>
      %get3A_496 = arith.index_cast %while3A_471 : i32 to index
      %get3A_497 = arith.constant 0 : index
      %get3A_498 = vector.load %arg8[%get3A_496, %get3A_497] : memref<8x128xf32, #tpu.memory_space<vmem>>, vector<1x128xf32>
      %mul3A_499 = vector.broadcast %convert_element_type3A_486 : vector<256x1xf32> to vector<256x128xf32>
      %mul3A_500 = vector.broadcast %get3A_498 : vector<1x128xf32> to vector<256x128xf32>
      %mul3A_501 = arith.mulf %mul3A_499, %mul3A_500 : vector<256x128xf32>
      %add3A_502 = arith.addf %while3A_473, %mul3A_501 : vector<256x128xf32>
      scf.yield %add3A_495, %add3A_502 : vector<256x512xf32>, vector<256x128xf32>
    }
    %slice3A_132 = vector.extract_strided_slice %while3A_131#0 {offsets = [0, 0], sizes = [256, 128], strides = [1, 1]} : vector<256x512xf32> to vector<256x128xf32>
    %logistic3A_133 = arith.negf %slice3A_132 : vector<256x128xf32>
    %logistic3A_134 = math.exp %logistic3A_133 : vector<256x128xf32>
    %logistic3A_135 = arith.constant 1.000000e+00 : f32
    %logistic3A_136 = vector.broadcast %logistic3A_135 : f32 to vector<256x128xf32>
    %logistic3A_137 = arith.addf %logistic3A_136, %logistic3A_134 : vector<256x128xf32>
    %logistic3A_138 = arith.divf %logistic3A_136, %logistic3A_137 : vector<256x128xf32>
    %slice3A_139 = vector.extract_strided_slice %while3A_131#0 {offsets = [0, 128], sizes = [256, 128], strides = [1, 1]} : vector<256x512xf32> to vector<256x128xf32>
    %tanh3A = math.tanh %slice3A_139 : vector<256x128xf32>
    %slice3A_140 = vector.extract_strided_slice %while3A_131#0 {offsets = [0, 256], sizes = [256, 128], strides = [1, 1]} : vector<256x512xf32> to vector<256x128xf32>
    %tanh3A_141 = math.tanh %slice3A_140 : vector<256x128xf32>
    %slice3A_142 = vector.extract_strided_slice %while3A_131#0 {offsets = [0, 384], sizes = [256, 128], strides = [1, 1]} : vector<256x512xf32> to vector<256x128xf32>
    %logistic3A_143 = arith.negf %slice3A_142 : vector<256x128xf32>
    %logistic3A_144 = math.exp %logistic3A_143 : vector<256x128xf32>
    %logistic3A_145 = arith.constant 1.000000e+00 : f32
    %logistic3A_146 = vector.broadcast %logistic3A_145 : f32 to vector<256x128xf32>
    %logistic3A_147 = arith.addf %logistic3A_146, %logistic3A_144 : vector<256x128xf32>
    %logistic3A_148 = arith.divf %logistic3A_146, %logistic3A_147 : vector<256x128xf32>
    %broadcast_in_dim3A_149 = arith.constant 1.000000e+00 : f32
    %broadcast_in_dim3A_150 = vector.broadcast %broadcast_in_dim3A_149 : f32 to vector<256x1xf32>
    %get3A_151 = arith.constant 0 : index
    %get3A_152 = arith.constant 0 : index
    %get3A_153 = memref.load %arg3[%get3A_151, %get3A_152] : memref<1x16xi32, #tpu.memory_space<smem>>
    %eq3A_154 = vector.broadcast %get3A_153 : i32 to vector<256x1xi32>
    %eq3A_155 = arith.cmpi eq, %add3A_32, %eq3A_154 : vector<256x1xi32>
    %jit3A_156 = arith.constant 0.000000e+00 : f32
    %broadcast_in_dim3A_157 = vector.broadcast %jit3A_156 : f32 to vector<256x1xf32>
    %select_n3A_158 = arith.select %eq3A_155, %broadcast_in_dim3A_157, %broadcast_in_dim3A_150 : vector<256x1xi1>, vector<256x1xf32>
    %get3A_159 = arith.constant 0 : index
    %get3A_160 = arith.constant 1 : index
    %get3A_161 = memref.load %arg3[%get3A_159, %get3A_160] : memref<1x16xi32, #tpu.memory_space<smem>>
    %eq3A_162 = vector.broadcast %get3A_161 : i32 to vector<256x1xi32>
    %eq3A_163 = arith.cmpi eq, %add3A_32, %eq3A_162 : vector<256x1xi32>
    %jit3A_164 = arith.constant 0.000000e+00 : f32
    %broadcast_in_dim3A_165 = vector.broadcast %jit3A_164 : f32 to vector<256x1xf32>
    %select_n3A_166 = arith.select %eq3A_163, %broadcast_in_dim3A_165, %select_n3A_158 : vector<256x1xi1>, vector<256x1xf32>
    %get3A_167 = arith.constant 0 : index
    %get3A_168 = arith.constant 2 : index
    %get3A_169 = memref.load %arg3[%get3A_167, %get3A_168] : memref<1x16xi32, #tpu.memory_space<smem>>
    %eq3A_170 = vector.broadcast %get3A_169 : i32 to vector<256x1xi32>
    %eq3A_171 = arith.cmpi eq, %add3A_32, %eq3A_170 : vector<256x1xi32>
    %jit3A_172 = arith.constant 0.000000e+00 : f32
    %broadcast_in_dim3A_173 = vector.broadcast %jit3A_172 : f32 to vector<256x1xf32>
    %select_n3A_174 = arith.select %eq3A_171, %broadcast_in_dim3A_173, %select_n3A_166 : vector<256x1xi1>, vector<256x1xf32>
    %get3A_175 = arith.constant 0 : index
    %get3A_176 = arith.constant 3 : index
    %get3A_177 = memref.load %arg3[%get3A_175, %get3A_176] : memref<1x16xi32, #tpu.memory_space<smem>>
    %eq3A_178 = vector.broadcast %get3A_177 : i32 to vector<256x1xi32>
    %eq3A_179 = arith.cmpi eq, %add3A_32, %eq3A_178 : vector<256x1xi32>
    %jit3A_180 = arith.constant 0.000000e+00 : f32
    %broadcast_in_dim3A_181 = vector.broadcast %jit3A_180 : f32 to vector<256x1xf32>
    %select_n3A_182 = arith.select %eq3A_179, %broadcast_in_dim3A_181, %select_n3A_174 : vector<256x1xi1>, vector<256x1xf32>
    %get3A_183 = arith.constant 0 : index
    %get3A_184 = arith.constant 4 : index
    %get3A_185 = memref.load %arg3[%get3A_183, %get3A_184] : memref<1x16xi32, #tpu.memory_space<smem>>
    %eq3A_186 = vector.broadcast %get3A_185 : i32 to vector<256x1xi32>
    %eq3A_187 = arith.cmpi eq, %add3A_32, %eq3A_186 : vector<256x1xi32>
    %jit3A_188 = arith.constant 0.000000e+00 : f32
    %broadcast_in_dim3A_189 = vector.broadcast %jit3A_188 : f32 to vector<256x1xf32>
    %select_n3A_190 = arith.select %eq3A_187, %broadcast_in_dim3A_189, %select_n3A_182 : vector<256x1xi1>, vector<256x1xf32>
    %get3A_191 = arith.constant 0 : index
    %get3A_192 = arith.constant 5 : index
    %get3A_193 = memref.load %arg3[%get3A_191, %get3A_192] : memref<1x16xi32, #tpu.memory_space<smem>>
    %eq3A_194 = vector.broadcast %get3A_193 : i32 to vector<256x1xi32>
    %eq3A_195 = arith.cmpi eq, %add3A_32, %eq3A_194 : vector<256x1xi32>
    %jit3A_196 = arith.constant 0.000000e+00 : f32
    %broadcast_in_dim3A_197 = vector.broadcast %jit3A_196 : f32 to vector<256x1xf32>
    %select_n3A_198 = arith.select %eq3A_195, %broadcast_in_dim3A_197, %select_n3A_190 : vector<256x1xi1>, vector<256x1xf32>
    %get3A_199 = arith.constant 0 : index
    %get3A_200 = arith.constant 6 : index
    %get3A_201 = memref.load %arg3[%get3A_199, %get3A_200] : memref<1x16xi32, #tpu.memory_space<smem>>
    %eq3A_202 = vector.broadcast %get3A_201 : i32 to vector<256x1xi32>
    %eq3A_203 = arith.cmpi eq, %add3A_32, %eq3A_202 : vector<256x1xi32>
    %jit3A_204 = arith.constant 0.000000e+00 : f32
    %broadcast_in_dim3A_205 = vector.broadcast %jit3A_204 : f32 to vector<256x1xf32>
    %select_n3A_206 = arith.select %eq3A_203, %broadcast_in_dim3A_205, %select_n3A_198 : vector<256x1xi1>, vector<256x1xf32>
    %get3A_207 = arith.constant 0 : index
    %get3A_208 = arith.constant 7 : index
    %get3A_209 = memref.load %arg3[%get3A_207, %get3A_208] : memref<1x16xi32, #tpu.memory_space<smem>>
    %eq3A_210 = vector.broadcast %get3A_209 : i32 to vector<256x1xi32>
    %eq3A_211 = arith.cmpi eq, %add3A_32, %eq3A_210 : vector<256x1xi32>
    %jit3A_212 = arith.constant 0.000000e+00 : f32
    %broadcast_in_dim3A_213 = vector.broadcast %jit3A_212 : f32 to vector<256x1xf32>
    %select_n3A_214 = arith.select %eq3A_211, %broadcast_in_dim3A_213, %select_n3A_206 : vector<256x1xi1>, vector<256x1xf32>
    %mul3A_215 = vector.broadcast %select_n3A_214 : vector<256x1xf32> to vector<256x128xf32>
    %mul3A_216 = arith.mulf %logistic3A_138, %mul3A_215 : vector<256x128xf32>
    %mul3A_217 = arith.mulf %tanh3A, %slice3A : vector<256x128xf32>
    %iota3A_218 = tpu.iota {dimensions = array<i32: 0>} : vector<256x1xi32>
    %ge3A = arith.constant 1 : i32
    %ge3A_219 = vector.broadcast %ge3A : i32 to vector<256x1xi32>
    %ge3A_220 = arith.cmpi sge, %iota3A_218, %ge3A_219 : vector<256x1xi32>
    %roll3A = arith.constant 1 : i32
    %roll3A_221 = tpu.dynamic_rotate %mul3A_217 by %roll3A dim 0 : vector<256x128xf32>, i32 -> vector<256x128xf32>
    %jit3A_222 = arith.constant 0.000000e+00 : f32
    %broadcast_in_dim3A_223 = vector.shape_cast %ge3A_220 : vector<256x1xi1> to vector<256x1xi1>
    %broadcast_in_dim3A_224 = vector.broadcast %broadcast_in_dim3A_223 : vector<256x1xi1> to vector<256x128xi1>
    %broadcast_in_dim3A_225 = vector.broadcast %jit3A_222 : f32 to vector<256x128xf32>
    %select_n3A_226 = arith.select %broadcast_in_dim3A_224, %roll3A_221, %broadcast_in_dim3A_225 : vector<256x128xi1>, vector<256x128xf32>
    %ge3A_227 = arith.constant 1 : i32
    %ge3A_228 = vector.broadcast %ge3A_227 : i32 to vector<256x1xi32>
    %ge3A_229 = arith.cmpi sge, %iota3A_218, %ge3A_228 : vector<256x1xi32>
    %roll3A_230 = arith.constant 1 : i32
    %roll3A_231 = tpu.dynamic_rotate %mul3A_216 by %roll3A_230 dim 0 : vector<256x128xf32>, i32 -> vector<256x128xf32>
    %jit3A_232 = arith.constant 1.000000e+00 : f32
    %broadcast_in_dim3A_233 = vector.shape_cast %ge3A_229 : vector<256x1xi1> to vector<256x1xi1>
    %broadcast_in_dim3A_234 = vector.broadcast %broadcast_in_dim3A_233 : vector<256x1xi1> to vector<256x128xi1>
    %broadcast_in_dim3A_235 = vector.broadcast %jit3A_232 : f32 to vector<256x128xf32>
    %select_n3A_236 = arith.select %broadcast_in_dim3A_234, %roll3A_231, %broadcast_in_dim3A_235 : vector<256x128xi1>, vector<256x128xf32>
    %mul3A_237 = arith.mulf %mul3A_216, %select_n3A_226 : vector<256x128xf32>
    %add3A_238 = arith.addf %mul3A_217, %mul3A_237 : vector<256x128xf32>
    %mul3A_239 = arith.mulf %mul3A_216, %select_n3A_236 : vector<256x128xf32>
    %ge3A_240 = arith.constant 2 : i32
    %ge3A_241 = vector.broadcast %ge3A_240 : i32 to vector<256x1xi32>
    %ge3A_242 = arith.cmpi sge, %iota3A_218, %ge3A_241 : vector<256x1xi32>
    %roll3A_243 = arith.constant 2 : i32
    %roll3A_244 = tpu.dynamic_rotate %add3A_238 by %roll3A_243 dim 0 : vector<256x128xf32>, i32 -> vector<256x128xf32>
    %jit3A_245 = arith.constant 0.000000e+00 : f32
    %broadcast_in_dim3A_246 = vector.shape_cast %ge3A_242 : vector<256x1xi1> to vector<256x1xi1>
    %broadcast_in_dim3A_247 = vector.broadcast %broadcast_in_dim3A_246 : vector<256x1xi1> to vector<256x128xi1>
    %broadcast_in_dim3A_248 = vector.broadcast %jit3A_245 : f32 to vector<256x128xf32>
    %select_n3A_249 = arith.select %broadcast_in_dim3A_247, %roll3A_244, %broadcast_in_dim3A_248 : vector<256x128xi1>, vector<256x128xf32>
    %ge3A_250 = arith.constant 2 : i32
    %ge3A_251 = vector.broadcast %ge3A_250 : i32 to vector<256x1xi32>
    %ge3A_252 = arith.cmpi sge, %iota3A_218, %ge3A_251 : vector<256x1xi32>
    %roll3A_253 = arith.constant 2 : i32
    %roll3A_254 = tpu.dynamic_rotate %mul3A_239 by %roll3A_253 dim 0 : vector<256x128xf32>, i32 -> vector<256x128xf32>
    %jit3A_255 = arith.constant 1.000000e+00 : f32
    %broadcast_in_dim3A_256 = vector.shape_cast %ge3A_252 : vector<256x1xi1> to vector<256x1xi1>
    %broadcast_in_dim3A_257 = vector.broadcast %broadcast_in_dim3A_256 : vector<256x1xi1> to vector<256x128xi1>
    %broadcast_in_dim3A_258 = vector.broadcast %jit3A_255 : f32 to vector<256x128xf32>
    %select_n3A_259 = arith.select %broadcast_in_dim3A_257, %roll3A_254, %broadcast_in_dim3A_258 : vector<256x128xi1>, vector<256x128xf32>
    %mul3A_260 = arith.mulf %mul3A_239, %select_n3A_249 : vector<256x128xf32>
    %add3A_261 = arith.addf %add3A_238, %mul3A_260 : vector<256x128xf32>
    %mul3A_262 = arith.mulf %mul3A_239, %select_n3A_259 : vector<256x128xf32>
    %ge3A_263 = arith.constant 4 : i32
    %ge3A_264 = vector.broadcast %ge3A_263 : i32 to vector<256x1xi32>
    %ge3A_265 = arith.cmpi sge, %iota3A_218, %ge3A_264 : vector<256x1xi32>
    %roll3A_266 = arith.constant 4 : i32
    %roll3A_267 = tpu.dynamic_rotate %add3A_261 by %roll3A_266 dim 0 : vector<256x128xf32>, i32 -> vector<256x128xf32>
    %jit3A_268 = arith.constant 0.000000e+00 : f32
    %broadcast_in_dim3A_269 = vector.shape_cast %ge3A_265 : vector<256x1xi1> to vector<256x1xi1>
    %broadcast_in_dim3A_270 = vector.broadcast %broadcast_in_dim3A_269 : vector<256x1xi1> to vector<256x128xi1>
    %broadcast_in_dim3A_271 = vector.broadcast %jit3A_268 : f32 to vector<256x128xf32>
    %select_n3A_272 = arith.select %broadcast_in_dim3A_270, %roll3A_267, %broadcast_in_dim3A_271 : vector<256x128xi1>, vector<256x128xf32>
    %ge3A_273 = arith.constant 4 : i32
    %ge3A_274 = vector.broadcast %ge3A_273 : i32 to vector<256x1xi32>
    %ge3A_275 = arith.cmpi sge, %iota3A_218, %ge3A_274 : vector<256x1xi32>
    %roll3A_276 = arith.constant 4 : i32
    %roll3A_277 = tpu.dynamic_rotate %mul3A_262 by %roll3A_276 dim 0 : vector<256x128xf32>, i32 -> vector<256x128xf32>
    %jit3A_278 = arith.constant 1.000000e+00 : f32
    %broadcast_in_dim3A_279 = vector.shape_cast %ge3A_275 : vector<256x1xi1> to vector<256x1xi1>
    %broadcast_in_dim3A_280 = vector.broadcast %broadcast_in_dim3A_279 : vector<256x1xi1> to vector<256x128xi1>
    %broadcast_in_dim3A_281 = vector.broadcast %jit3A_278 : f32 to vector<256x128xf32>
    %select_n3A_282 = arith.select %broadcast_in_dim3A_280, %roll3A_277, %broadcast_in_dim3A_281 : vector<256x128xi1>, vector<256x128xf32>
    %mul3A_283 = arith.mulf %mul3A_262, %select_n3A_272 : vector<256x128xf32>
    %add3A_284 = arith.addf %add3A_261, %mul3A_283 : vector<256x128xf32>
    %mul3A_285 = arith.mulf %mul3A_262, %select_n3A_282 : vector<256x128xf32>
    %ge3A_286 = arith.constant 8 : i32
    %ge3A_287 = vector.broadcast %ge3A_286 : i32 to vector<256x1xi32>
    %ge3A_288 = arith.cmpi sge, %iota3A_218, %ge3A_287 : vector<256x1xi32>
    %roll3A_289 = arith.constant 8 : i32
    %roll3A_290 = tpu.dynamic_rotate %add3A_284 by %roll3A_289 dim 0 : vector<256x128xf32>, i32 -> vector<256x128xf32>
    %jit3A_291 = arith.constant 0.000000e+00 : f32
    %broadcast_in_dim3A_292 = vector.shape_cast %ge3A_288 : vector<256x1xi1> to vector<256x1xi1>
    %broadcast_in_dim3A_293 = vector.broadcast %broadcast_in_dim3A_292 : vector<256x1xi1> to vector<256x128xi1>
    %broadcast_in_dim3A_294 = vector.broadcast %jit3A_291 : f32 to vector<256x128xf32>
    %select_n3A_295 = arith.select %broadcast_in_dim3A_293, %roll3A_290, %broadcast_in_dim3A_294 : vector<256x128xi1>, vector<256x128xf32>
    %ge3A_296 = arith.constant 8 : i32
    %ge3A_297 = vector.broadcast %ge3A_296 : i32 to vector<256x1xi32>
    %ge3A_298 = arith.cmpi sge, %iota3A_218, %ge3A_297 : vector<256x1xi32>
    %roll3A_299 = arith.constant 8 : i32
    %roll3A_300 = tpu.dynamic_rotate %mul3A_285 by %roll3A_299 dim 0 : vector<256x128xf32>, i32 -> vector<256x128xf32>
    %jit3A_301 = arith.constant 1.000000e+00 : f32
    %broadcast_in_dim3A_302 = vector.shape_cast %ge3A_298 : vector<256x1xi1> to vector<256x1xi1>
    %broadcast_in_dim3A_303 = vector.broadcast %broadcast_in_dim3A_302 : vector<256x1xi1> to vector<256x128xi1>
    %broadcast_in_dim3A_304 = vector.broadcast %jit3A_301 : f32 to vector<256x128xf32>
    %select_n3A_305 = arith.select %broadcast_in_dim3A_303, %roll3A_300, %broadcast_in_dim3A_304 : vector<256x128xi1>, vector<256x128xf32>
    %mul3A_306 = arith.mulf %mul3A_285, %select_n3A_295 : vector<256x128xf32>
    %add3A_307 = arith.addf %add3A_284, %mul3A_306 : vector<256x128xf32>
    %mul3A_308 = arith.mulf %mul3A_285, %select_n3A_305 : vector<256x128xf32>
    %ge3A_309 = arith.constant 16 : i32
    %ge3A_310 = vector.broadcast %ge3A_309 : i32 to vector<256x1xi32>
    %ge3A_311 = arith.cmpi sge, %iota3A_218, %ge3A_310 : vector<256x1xi32>
    %roll3A_312 = arith.constant 16 : i32
    %roll3A_313 = tpu.dynamic_rotate %add3A_307 by %roll3A_312 dim 0 : vector<256x128xf32>, i32 -> vector<256x128xf32>
    %jit3A_314 = arith.constant 0.000000e+00 : f32
    %broadcast_in_dim3A_315 = vector.shape_cast %ge3A_311 : vector<256x1xi1> to vector<256x1xi1>
    %broadcast_in_dim3A_316 = vector.broadcast %broadcast_in_dim3A_315 : vector<256x1xi1> to vector<256x128xi1>
    %broadcast_in_dim3A_317 = vector.broadcast %jit3A_314 : f32 to vector<256x128xf32>
    %select_n3A_318 = arith.select %broadcast_in_dim3A_316, %roll3A_313, %broadcast_in_dim3A_317 : vector<256x128xi1>, vector<256x128xf32>
    %ge3A_319 = arith.constant 16 : i32
    %ge3A_320 = vector.broadcast %ge3A_319 : i32 to vector<256x1xi32>
    %ge3A_321 = arith.cmpi sge, %iota3A_218, %ge3A_320 : vector<256x1xi32>
    %roll3A_322 = arith.constant 16 : i32
    %roll3A_323 = tpu.dynamic_rotate %mul3A_308 by %roll3A_322 dim 0 : vector<256x128xf32>, i32 -> vector<256x128xf32>
    %jit3A_324 = arith.constant 1.000000e+00 : f32
    %broadcast_in_dim3A_325 = vector.shape_cast %ge3A_321 : vector<256x1xi1> to vector<256x1xi1>
    %broadcast_in_dim3A_326 = vector.broadcast %broadcast_in_dim3A_325 : vector<256x1xi1> to vector<256x128xi1>
    %broadcast_in_dim3A_327 = vector.broadcast %jit3A_324 : f32 to vector<256x128xf32>
    %select_n3A_328 = arith.select %broadcast_in_dim3A_326, %roll3A_323, %broadcast_in_dim3A_327 : vector<256x128xi1>, vector<256x128xf32>
    %mul3A_329 = arith.mulf %mul3A_308, %select_n3A_318 : vector<256x128xf32>
    %add3A_330 = arith.addf %add3A_307, %mul3A_329 : vector<256x128xf32>
    %mul3A_331 = arith.mulf %mul3A_308, %select_n3A_328 : vector<256x128xf32>
    %ge3A_332 = arith.constant 32 : i32
    %ge3A_333 = vector.broadcast %ge3A_332 : i32 to vector<256x1xi32>
    %ge3A_334 = arith.cmpi sge, %iota3A_218, %ge3A_333 : vector<256x1xi32>
    %roll3A_335 = arith.constant 32 : i32
    %roll3A_336 = tpu.dynamic_rotate %add3A_330 by %roll3A_335 dim 0 : vector<256x128xf32>, i32 -> vector<256x128xf32>
    %jit3A_337 = arith.constant 0.000000e+00 : f32
    %broadcast_in_dim3A_338 = vector.shape_cast %ge3A_334 : vector<256x1xi1> to vector<256x1xi1>
    %broadcast_in_dim3A_339 = vector.broadcast %broadcast_in_dim3A_338 : vector<256x1xi1> to vector<256x128xi1>
    %broadcast_in_dim3A_340 = vector.broadcast %jit3A_337 : f32 to vector<256x128xf32>
    %select_n3A_341 = arith.select %broadcast_in_dim3A_339, %roll3A_336, %broadcast_in_dim3A_340 : vector<256x128xi1>, vector<256x128xf32>
    %ge3A_342 = arith.constant 32 : i32
    %ge3A_343 = vector.broadcast %ge3A_342 : i32 to vector<256x1xi32>
    %ge3A_344 = arith.cmpi sge, %iota3A_218, %ge3A_343 : vector<256x1xi32>
    %roll3A_345 = arith.constant 32 : i32
    %roll3A_346 = tpu.dynamic_rotate %mul3A_331 by %roll3A_345 dim 0 : vector<256x128xf32>, i32 -> vector<256x128xf32>
    %jit3A_347 = arith.constant 1.000000e+00 : f32
    %broadcast_in_dim3A_348 = vector.shape_cast %ge3A_344 : vector<256x1xi1> to vector<256x1xi1>
    %broadcast_in_dim3A_349 = vector.broadcast %broadcast_in_dim3A_348 : vector<256x1xi1> to vector<256x128xi1>
    %broadcast_in_dim3A_350 = vector.broadcast %jit3A_347 : f32 to vector<256x128xf32>
    %select_n3A_351 = arith.select %broadcast_in_dim3A_349, %roll3A_346, %broadcast_in_dim3A_350 : vector<256x128xi1>, vector<256x128xf32>
    %mul3A_352 = arith.mulf %mul3A_331, %select_n3A_341 : vector<256x128xf32>
    %add3A_353 = arith.addf %add3A_330, %mul3A_352 : vector<256x128xf32>
    %mul3A_354 = arith.mulf %mul3A_331, %select_n3A_351 : vector<256x128xf32>
    %ge3A_355 = arith.constant 64 : i32
    %ge3A_356 = vector.broadcast %ge3A_355 : i32 to vector<256x1xi32>
    %ge3A_357 = arith.cmpi sge, %iota3A_218, %ge3A_356 : vector<256x1xi32>
    %roll3A_358 = arith.constant 64 : i32
    %roll3A_359 = tpu.dynamic_rotate %add3A_353 by %roll3A_358 dim 0 : vector<256x128xf32>, i32 -> vector<256x128xf32>
    %jit3A_360 = arith.constant 0.000000e+00 : f32
    %broadcast_in_dim3A_361 = vector.shape_cast %ge3A_357 : vector<256x1xi1> to vector<256x1xi1>
    %broadcast_in_dim3A_362 = vector.broadcast %broadcast_in_dim3A_361 : vector<256x1xi1> to vector<256x128xi1>
    %broadcast_in_dim3A_363 = vector.broadcast %jit3A_360 : f32 to vector<256x128xf32>
    %select_n3A_364 = arith.select %broadcast_in_dim3A_362, %roll3A_359, %broadcast_in_dim3A_363 : vector<256x128xi1>, vector<256x128xf32>
    %ge3A_365 = arith.constant 64 : i32
    %ge3A_366 = vector.broadcast %ge3A_365 : i32 to vector<256x1xi32>
    %ge3A_367 = arith.cmpi sge, %iota3A_218, %ge3A_366 : vector<256x1xi32>
    %roll3A_368 = arith.constant 64 : i32
    %roll3A_369 = tpu.dynamic_rotate %mul3A_354 by %roll3A_368 dim 0 : vector<256x128xf32>, i32 -> vector<256x128xf32>
    %jit3A_370 = arith.constant 1.000000e+00 : f32
    %broadcast_in_dim3A_371 = vector.shape_cast %ge3A_367 : vector<256x1xi1> to vector<256x1xi1>
    %broadcast_in_dim3A_372 = vector.broadcast %broadcast_in_dim3A_371 : vector<256x1xi1> to vector<256x128xi1>
    %broadcast_in_dim3A_373 = vector.broadcast %jit3A_370 : f32 to vector<256x128xf32>
    %select_n3A_374 = arith.select %broadcast_in_dim3A_372, %roll3A_369, %broadcast_in_dim3A_373 : vector<256x128xi1>, vector<256x128xf32>
    %mul3A_375 = arith.mulf %mul3A_354, %select_n3A_364 : vector<256x128xf32>
    %add3A_376 = arith.addf %add3A_353, %mul3A_375 : vector<256x128xf32>
    %mul3A_377 = arith.mulf %mul3A_354, %select_n3A_374 : vector<256x128xf32>
    %ge3A_378 = arith.constant 128 : i32
    %ge3A_379 = vector.broadcast %ge3A_378 : i32 to vector<256x1xi32>
    %ge3A_380 = arith.cmpi sge, %iota3A_218, %ge3A_379 : vector<256x1xi32>
    %roll3A_381 = arith.constant 128 : i32
    %roll3A_382 = tpu.dynamic_rotate %add3A_376 by %roll3A_381 dim 0 : vector<256x128xf32>, i32 -> vector<256x128xf32>
    %jit3A_383 = arith.constant 0.000000e+00 : f32
    %broadcast_in_dim3A_384 = vector.shape_cast %ge3A_380 : vector<256x1xi1> to vector<256x1xi1>
    %broadcast_in_dim3A_385 = vector.broadcast %broadcast_in_dim3A_384 : vector<256x1xi1> to vector<256x128xi1>
    %broadcast_in_dim3A_386 = vector.broadcast %jit3A_383 : f32 to vector<256x128xf32>
    %select_n3A_387 = arith.select %broadcast_in_dim3A_385, %roll3A_382, %broadcast_in_dim3A_386 : vector<256x128xi1>, vector<256x128xf32>
    %ge3A_388 = arith.constant 128 : i32
    %ge3A_389 = vector.broadcast %ge3A_388 : i32 to vector<256x1xi32>
    %ge3A_390 = arith.cmpi sge, %iota3A_218, %ge3A_389 : vector<256x1xi32>
    %roll3A_391 = arith.constant 128 : i32
    %roll3A_392 = tpu.dynamic_rotate %mul3A_377 by %roll3A_391 dim 0 : vector<256x128xf32>, i32 -> vector<256x128xf32>
    %jit3A_393 = arith.constant 1.000000e+00 : f32
    %broadcast_in_dim3A_394 = vector.shape_cast %ge3A_390 : vector<256x1xi1> to vector<256x1xi1>
    %broadcast_in_dim3A_395 = vector.broadcast %broadcast_in_dim3A_394 : vector<256x1xi1> to vector<256x128xi1>
    %broadcast_in_dim3A_396 = vector.broadcast %jit3A_393 : f32 to vector<256x128xf32>
    %select_n3A_397 = arith.select %broadcast_in_dim3A_395, %roll3A_392, %broadcast_in_dim3A_396 : vector<256x128xi1>, vector<256x128xf32>
    %mul3A_398 = arith.mulf %mul3A_377, %select_n3A_387 : vector<256x128xf32>
    %add3A_399 = arith.addf %add3A_376, %mul3A_398 : vector<256x128xf32>
    %mul3A_400 = arith.mulf %mul3A_377, %select_n3A_397 : vector<256x128xf32>
    %get3A_401 = arith.constant 0 : index
    %get3A_402 = arith.constant 0 : index
    %get3A_403 = vector.load %arg14[%get3A_401, %get3A_402] : memref<8x128xf32, #tpu.memory_space<vmem>>, vector<1x128xf32>
    %mul3A_404 = vector.broadcast %get3A_403 : vector<1x128xf32> to vector<256x128xf32>
    %mul3A_405 = arith.mulf %mul3A_400, %mul3A_404 : vector<256x128xf32>
    %add3A_406 = arith.addf %add3A_399, %mul3A_405 : vector<256x128xf32>
    %slice3A_407 = vector.extract_strided_slice %add3A_406 {offsets = [255, 0], sizes = [1, 128], strides = [1, 1]} : vector<256x128xf32> to vector<1x128xf32>
    %swap3A = arith.constant 0 : index
    %swap3A_408 = arith.constant 0 : index
    %swap3A_409 = vector.load %arg14[%swap3A, %swap3A_408] : memref<8x128xf32, #tpu.memory_space<vmem>>, vector<1x128xf32>
    tpu.vector_store %arg14[%swap3A, %swap3A_408], %slice3A_407 {strides = array<i32>} : memref<8x128xf32, #tpu.memory_space<vmem>>, vector<1x128xf32>,
    %mul3A_410 = arith.mulf %tanh3A_141, %add3A_406 : vector<256x128xf32>
    %mul3A_411 = arith.mulf %while3A_131#1, %logistic3A_148 : vector<256x128xf32>
    %mul3A_412 = arith.mulf %mul3A_411, %slice3A : vector<256x128xf32>
    %add3A_413 = arith.addf %mul3A_410, %mul3A_412 : vector<256x128xf32>
    %convert_element_type3A_414 = arith.truncf %add3A_413 : vector<256x128xf32> to vector<256x128xbf16>
    %add3A_415 = arith.constant 1 : i32
    %add3A_416 = arith.addi %select_n3A_94, %add3A_415 : i32
    %broadcast_in_dim3A_417 = arith.constant 0.000000e+00 : f32
    %broadcast_in_dim3A_418 = vector.broadcast %broadcast_in_dim3A_417 : f32 to vector<256x768xf32>
    %while3A_419 = arith.subi %add3A_416, %select_n3A_91 : i32
    %while3A_420 = arith.addi %select_n3A_91, %while3A_419 : i32
    %while3A_421 = arith.constant 1 : i32
    %while3A_422 = arith.divsi %while3A_419, %while3A_421 : i32
    %while3A_423 = arith.muli %while3A_422, %while3A_421 : i32
    %while3A_424 = arith.addi %select_n3A_91, %while3A_423 : i32
    %while3A_425 = arith.constant 1 : i32
    %while3A_426 = scf.for %while3A_471 = %select_n3A_91 to %while3A_424 step %while3A_425 iter_args(%while3A_472 = %broadcast_in_dim3A_418) -> (vector<256x768xf32>)  : i32 {
      %get3A_473 = arith.constant 0 : index
      %get3A_474 = arith.index_cast %while3A_471 : i32 to index
      %get3A_475 = memref.load %arg3[%get3A_473, %get3A_474] : memref<1x16xi32, #tpu.memory_space<smem>>
      %add3A_476 = arith.constant 1 : i32
      %add3A_477 = arith.addi %while3A_471, %add3A_476 : i32
      %get3A_478 = arith.constant 0 : index
      %get3A_479 = arith.index_cast %add3A_477 : i32 to index
      %get3A_480 = memref.load %arg3[%get3A_478, %get3A_479] : memref<1x16xi32, #tpu.memory_space<smem>>
      %ge3A_481 = vector.broadcast %get3A_475 : i32 to vector<256x1xi32>
      %ge3A_482 = arith.cmpi sge, %add3A_32, %ge3A_481 : vector<256x1xi32>
      %lt3A = vector.broadcast %get3A_480 : i32 to vector<256x1xi32>
      %lt3A_483 = arith.cmpi slt, %add3A_32, %lt3A : vector<256x1xi32>
      %and3A = arith.andi %ge3A_482, %lt3A_483 : vector<256x1xi1>
      %convert_element_type3A_484 = arith.extui %and3A : vector<256x1xi1> to vector<256x1xi32>
      %convert_element_type3A_485 = arith.sitofp %convert_element_type3A_484 : vector<256x1xi32> to vector<256x1xf32>
      %get3A_486 = arith.index_cast %while3A_471 : i32 to index
      %get3A_487 = arith.constant 0 : index
      %get3A_488 = arith.constant 0 : index
      %get3A_489 = vector.load %arg7[%get3A_486, %get3A_487, %get3A_488] : memref<8x128x768xbf16, #tpu.memory_space<vmem>>, vector<1x128x768xbf16>
      %squeeze3A = vector.shape_cast %get3A_489 : vector<1x128x768xbf16> to vector<128x768xbf16>
      %dot_general3A_490 = arith.constant dense<0.000000e+00> : vector<256x768xf32>
      %dot_general3A_491 = tpu.matmul %convert_element_type3A_414, %squeeze3A, %dot_general3A_490 {dimension_numbers = #tpu.dot_dimension_numbers<[1], [0], [0], [1], [0, 0, 1, 1], [], []>, transpose_lhs_hint = false} : vector<256x128xbf16>, vector<128x768xbf16>, vector<256x768xf32> -> vector<256x768xf32>
      %mul3A_492 = vector.broadcast %convert_element_type3A_485 : vector<256x1xf32> to vector<256x768xf32>
      %mul3A_493 = arith.mulf %mul3A_492, %dot_general3A_491 : vector<256x768xf32>
      %add3A_494 = arith.addf %while3A_472, %mul3A_493 : vector<256x768xf32>
      scf.yield %add3A_494 : vector<256x768xf32>
    }
    %while3A_427 = arith.constant 1 : i32
    %while3A_428 = scf.for %while3A_471 = %while3A_424 to %while3A_420 step %while3A_427 iter_args(%while3A_472 = %while3A_426) -> (vector<256x768xf32>)  : i32 {
      %get3A_473 = arith.constant 0 : index
      %get3A_474 = arith.index_cast %while3A_471 : i32 to index
      %get3A_475 = memref.load %arg3[%get3A_473, %get3A_474] : memref<1x16xi32, #tpu.memory_space<smem>>
      %add3A_476 = arith.constant 1 : i32
      %add3A_477 = arith.addi %while3A_471, %add3A_476 : i32
      %get3A_478 = arith.constant 0 : index
      %get3A_479 = arith.index_cast %add3A_477 : i32 to index
      %get3A_480 = memref.load %arg3[%get3A_478, %get3A_479] : memref<1x16xi32, #tpu.memory_space<smem>>
      %ge3A_481 = vector.broadcast %get3A_475 : i32 to vector<256x1xi32>
      %ge3A_482 = arith.cmpi sge, %add3A_32, %ge3A_481 : vector<256x1xi32>
      %lt3A = vector.broadcast %get3A_480 : i32 to vector<256x1xi32>
      %lt3A_483 = arith.cmpi slt, %add3A_32, %lt3A : vector<256x1xi32>
      %and3A = arith.andi %ge3A_482, %lt3A_483 : vector<256x1xi1>
      %convert_element_type3A_484 = arith.extui %and3A : vector<256x1xi1> to vector<256x1xi32>
      %convert_element_type3A_485 = arith.sitofp %convert_element_type3A_484 : vector<256x1xi32> to vector<256x1xf32>
      %get3A_486 = arith.index_cast %while3A_471 : i32 to index
      %get3A_487 = arith.constant 0 : index
      %get3A_488 = arith.constant 0 : index
      %get3A_489 = vector.load %arg7[%get3A_486, %get3A_487, %get3A_488] : memref<8x128x768xbf16, #tpu.memory_space<vmem>>, vector<1x128x768xbf16>
      %squeeze3A = vector.shape_cast %get3A_489 : vector<1x128x768xbf16> to vector<128x768xbf16>
      %dot_general3A_490 = arith.constant dense<0.000000e+00> : vector<256x768xf32>
      %dot_general3A_491 = tpu.matmul %convert_element_type3A_414, %squeeze3A, %dot_general3A_490 {dimension_numbers = #tpu.dot_dimension_numbers<[1], [0], [0], [1], [0, 0, 1, 1], [], []>, transpose_lhs_hint = false} : vector<256x128xbf16>, vector<128x768xbf16>, vector<256x768xf32> -> vector<256x768xf32>
      %mul3A_492 = vector.broadcast %convert_element_type3A_485 : vector<256x1xf32> to vector<256x768xf32>
      %mul3A_493 = arith.mulf %mul3A_492, %dot_general3A_491 : vector<256x768xf32>
      %add3A_494 = arith.addf %while3A_472, %mul3A_493 : vector<256x768xf32>
      scf.yield %add3A_494 : vector<256x768xf32>
    }
    %get3A_429 = arith.constant 0 : index
    %get3A_430 = arith.constant 0 : index
    %get3A_431 = vector.load %arg9[%get3A_429, %get3A_430] : memref<1x768xf32, #tpu.memory_space<vmem>>, vector<1x768xf32>
    %mul3A_432 = vector.broadcast %get3A_431 : vector<1x768xf32> to vector<256x768xf32>
    %mul3A_433 = arith.mulf %mul3A_432, %while3A_428 : vector<256x768xf32>
    %add3A_434 = arith.addf %add3A, %mul3A_433 : vector<256x768xf32>
    %mul3A_435 = arith.mulf %add3A_434, %add3A_434 : vector<256x768xf32>
    %reduce_sum3A_436 = arith.constant dense<0.000000e+00> : vector<256xf32>
    %reduce_sum3A_437 = vector.multi_reduction <add>, %mul3A_435, %reduce_sum3A_436 [1] : vector<256x768xf32> to vector<256xf32>
    %broadcast_in_dim3A_438 = vector.shape_cast %reduce_sum3A_437 : vector<256xf32> to vector<256x1xf32>
    %div3A_439 = arith.constant 7.680000e+02 : f32
    %div3A_440 = vector.broadcast %div3A_439 : f32 to vector<256x1xf32>
    %div3A_441 = arith.divf %broadcast_in_dim3A_438, %div3A_440 : vector<256x1xf32>
    %add3A_442 = arith.constant 9.99999997E-7 : f32
    %add3A_443 = vector.broadcast %add3A_442 : f32 to vector<256x1xf32>
    %add3A_444 = arith.addf %div3A_441, %add3A_443 : vector<256x1xf32>
    %rsqrt3A_445 = math.rsqrt %add3A_444 : vector<256x1xf32>
    %mul3A_446 = vector.broadcast %rsqrt3A_445 : vector<256x1xf32> to vector<256x768xf32>
    %mul3A_447 = arith.mulf %add3A_434, %mul3A_446 : vector<256x768xf32>
    %convert_element_type3A_448 = arith.truncf %mul3A_447 : vector<256x768xf32> to vector<256x768xbf16>
    %get3A_449 = arith.constant 0 : index
    %get3A_450 = arith.constant 0 : index
    %get3A_451 = vector.load %arg11[%get3A_449, %get3A_450] : memref<768x3072xbf16, #tpu.memory_space<vmem>>, vector<768x3072xbf16>
    %dot_general3A = arith.constant dense<0.000000e+00> : vector<256x3072xf32>
    %dot_general3A_452 = tpu.matmul %convert_element_type3A_448, %get3A_451, %dot_general3A {dimension_numbers = #tpu.dot_dimension_numbers<[1], [0], [0], [1], [0, 0, 1, 1], [], []>, transpose_lhs_hint = false} : vector<256x768xbf16>, vector<768x3072xbf16>, vector<256x3072xf32> -> vector<256x3072xf32>
    %max3A = arith.constant 0.000000e+00 : f32
    %max3A_453 = vector.broadcast %max3A : f32 to vector<256x3072xf32>
    %max3A_454 = arith.maximumf %dot_general3A_452, %max3A_453 : vector<256x3072xf32>
    %mul3A_455 = arith.mulf %max3A_454, %max3A_454 : vector<256x3072xf32>
    %convert_element_type3A_456 = arith.truncf %mul3A_455 : vector<256x3072xf32> to vector<256x3072xbf16>
    %get3A_457 = arith.constant 0 : index
    %get3A_458 = arith.constant 0 : index
    %get3A_459 = vector.load %arg12[%get3A_457, %get3A_458] : memref<3072x768xbf16, #tpu.memory_space<vmem>>, vector<3072x768xbf16>
    %dot_general3A_460 = arith.constant dense<0.000000e+00> : vector<256x768xf32>
    %dot_general3A_461 = tpu.matmul %convert_element_type3A_456, %get3A_459, %dot_general3A_460 {dimension_numbers = #tpu.dot_dimension_numbers<[1], [0], [0], [1], [0, 0, 1, 1], [], []>, transpose_lhs_hint = false} : vector<256x3072xbf16>, vector<3072x768xbf16>, vector<256x768xf32> -> vector<256x768xf32>
    %get3A_462 = arith.constant 0 : index
    %get3A_463 = arith.constant 0 : index
    %get3A_464 = vector.load %arg10[%get3A_462, %get3A_463] : memref<1x768xf32, #tpu.memory_space<vmem>>, vector<1x768xf32>
    %mul3A_465 = vector.broadcast %get3A_464 : vector<1x768xf32> to vector<256x768xf32>
    %mul3A_466 = arith.mulf %mul3A_465, %dot_general3A_461 : vector<256x768xf32>
    %add3A_467 = arith.addf %add3A_434, %mul3A_466 : vector<256x768xf32>
    %swap3A_468 = arith.constant 0 : index
    %swap3A_469 = arith.constant 0 : index
    %swap3A_470 = vector.load %arg13[%swap3A_468, %swap3A_469] : memref<256x768xf32, #tpu.memory_space<vmem>>, vector<256x768xf32>
    tpu.vector_store %arg13[%swap3A_468, %swap3A_469], %add3A_467 {strides = array<i32>} : memref<256x768xf32, #tpu.memory_space<vmem>>, vector<256x768xf32>,
    return
  }
  func.func @transform_0(%arg0: i32) -> (i32, i32) {
    %c0_i32 = arith.constant 0 : i32
    %c0_i32_0 = arith.constant 0 : i32
    return %arg0, %c0_i32 : i32, i32
  }
  func.func @transform_1(%arg0: i32) -> (i32, i32) {
    %c0_i32 = arith.constant 0 : i32
    %c0_i32_0 = arith.constant 0 : i32
    return %arg0, %c0_i32 : i32, i32
  }
  func.func @transform_2(%arg0: i32) -> (i32, i32) {
    %c0_i32 = arith.constant 0 : i32
    %c0_i32_0 = arith.constant 0 : i32
    %c0_i32_1 = arith.constant 0 : i32
    return %c0_i32, %c0_i32_0 : i32, i32
  }
  func.func @transform_3(%arg0: i32) -> (i32, i32) {
    %c0_i32 = arith.constant 0 : i32
    %c0_i32_0 = arith.constant 0 : i32
    %c0_i32_1 = arith.constant 0 : i32
    return %c0_i32, %c0_i32_0 : i32, i32
  }
  func.func @transform_4(%arg0: i32) -> (i32, i32, i32) {
    %c0_i32 = arith.constant 0 : i32
    %c0_i32_0 = arith.constant 0 : i32
    %c0_i32_1 = arith.constant 0 : i32
    %c0_i32_2 = arith.constant 0 : i32
    return %c0_i32, %c0_i32_0, %c0_i32_1 : i32, i32, i32
  }
  func.func @transform_5(%arg0: i32) -> (i32, i32, i32) {
    %c0_i32 = arith.constant 0 : i32
    %c0_i32_0 = arith.constant 0 : i32
    %c0_i32_1 = arith.constant 0 : i32
    %c0_i32_2 = arith.constant 0 : i32
    return %c0_i32, %c0_i32_0, %c0_i32_1 : i32, i32, i32
  }
  func.func @transform_6(%arg0: i32) -> (i32, i32, i32) {
    %c0_i32 = arith.constant 0 : i32
    %c0_i32_0 = arith.constant 0 : i32
    %c0_i32_1 = arith.constant 0 : i32
    %c0_i32_2 = arith.constant 0 : i32
    return %c0_i32, %c0_i32_0, %c0_i32_1 : i32, i32, i32
  }
  func.func @transform_7(%arg0: i32) -> (i32, i32) {
    %c0_i32 = arith.constant 0 : i32
    %c0_i32_0 = arith.constant 0 : i32
    %c0_i32_1 = arith.constant 0 : i32
    return %c0_i32, %c0_i32_0 : i32, i32
  }
  func.func @transform_8(%arg0: i32) -> (i32, i32) {
    %c0_i32 = arith.constant 0 : i32
    %c0_i32_0 = arith.constant 0 : i32
    %c0_i32_1 = arith.constant 0 : i32
    return %c0_i32, %c0_i32_0 : i32, i32
  }
  func.func @transform_9(%arg0: i32) -> (i32, i32) {
    %c0_i32 = arith.constant 0 : i32
    %c0_i32_0 = arith.constant 0 : i32
    %c0_i32_1 = arith.constant 0 : i32
    return %c0_i32, %c0_i32_0 : i32, i32
  }
  func.func @transform_10(%arg0: i32) -> (i32, i32) {
    %c0_i32 = arith.constant 0 : i32
    %c0_i32_0 = arith.constant 0 : i32
    %c0_i32_1 = arith.constant 0 : i32
    return %c0_i32, %c0_i32_0 : i32, i32
  }
  func.func @transform_11(%arg0: i32) -> (i32, i32) {
    %c0_i32 = arith.constant 0 : i32
    %c0_i32_0 = arith.constant 0 : i32
    %c0_i32_1 = arith.constant 0 : i32
    return %c0_i32, %c0_i32_0 : i32, i32
  }
  func.func @transform_12(%arg0: i32) -> (i32, i32) {
    %c0_i32 = arith.constant 0 : i32
    %c0_i32_0 = arith.constant 0 : i32
    return %arg0, %c0_i32 : i32, i32
  }
}

</mosaic_0001>

<sc_bundles>
// kernel: kernel.6.cloned.1.call-start
scs
__scs_entry_jumppad:
0x0: {  	(pc) =	sbr.rel $0x88, $3  }
0x1: {  	(tag) =	ssettag $0x0;
	lr =	simm.s32 $0x1  }
0x2: {  	[smem:$0x3F94] =	sst lr;
	_ =	strace $0xD0000000  }
0x3: {  	_ = 	snop  }
0x4: {  	_ = 	snop  }
0x5: {  	_ = 	snop  }
0x6: {  	_ = 	snop  }
0x7: {  	_ = 	snop  }
__scs_overlays_trampoline_lowered:
0x8: {  	[smem:$0x3FA3] =	sst s0  }
0x9: {  	[smem:$0x3FA4] =	sst s1  }
0xa: {  	[smem:$0x3FA5] =	sst s2  }
0xb: {  	[smem:$0x3FA6] =	sst s3  }
0xc: {  	[smem:$0x3FA7] =	sst s4  }
0xd: {  	[smem:$0x3FA8] =	sst s5  }
0xe: {  	[smem:$0x3FA9] =	sst s6  }
0xf: {  	[smem:$0x3FAA] =	sst s7  }
0x10: {  	[smem:$0x3FAB] =	sst s8  }
0x11: {  	[smem:$0x3FAC] =	sst s9;
	s0 =	simm.s32 @!p0 $0x0  }
0x12: {  	s1 =	sld [smem:$0x3F92];
	s0 =	simm.s32 @p0 $0x1  }
0x13: {  	[smem:$0x3FAD] =	sst s0;
	s0 =	simm.s32 @!p1 $0x0  }
0x14: {  	s2 =	sld [smem:$0x3F91];
	s0 =	simm.s32 @p1 $0x1  }
0x15: {  	[smem:$0x3FAE] =	sst s0;
	s0 =	simm.s32 @!p2 $0x0  }
0x16: {  	s3 =	sld [smem:$0x3FDB];
	s0 =	simm.s32 @p2 $0x1  }
0x17: {  	s4 =	simm.s32 $0x1BF5;
	[smem:$0x3FB0] =	sst s0  }
0x18: {  	s0 =	sld [smem:$0x3F93];
	_ =	swait.ge [sflag:s4], $0x0  }
0x19: {  	s7 =	sld [smem:$0x3F94]  }
0x1a: {  	s8 =	sadd.s32 $0xFFFFE003, lr  }
0x1b: {  	s9 =	sadd.s32 $0xFFFFFEF7, lr;
	s5 =	simm.s32 $0xFFFFFFFF;
	p2 =	slt.u32 s8, $0xFFFFF086  }
0x1c: {  	p1 =	slt.u32 s9, $0xF7A;
	s5 =	simm.s32 @!p2 $0x0  }
0x1d: {  	s5 =	simm.s32 @p1 $0x1;
	p0 =	seq.s32 s7, s2  }
0x1e: {  	s7 =	smul.u32 @!p0 $0xF7A, s2;
	p2 =	seq.s32 @!p0 s5, $0x0  }
0x1f: {  	s9 =	smul.u32 $0xF7A, s1;
	s8 =	simm.s32 @!p0 $0x1BF5;
	p2 =	por !p2, p0  }
0x20: {  	[sflag:s8] =	ssyncset.s32 @!p0 $0xFFFFF086;
	s6 =	sadd.s32 @!p0 s3, s7;
	s7 =	simm.s32 @!p0 $0x108  }
0x21: {  	s3 =	sadd.s32 s3, s9;
	s6 =	sadd.s32 @!p0 $0x88, s6;
	s7 =	simm.s32 @p2 $0x1082  }
0x22: {  	[simem:s7], [sflag:s8] =	dma.local @!p0 [hbm:s6], $0xF7A  }
0x23: {  	s9 =	sor.u32 $0xD0000000, s2;
	s6 =	simm.s32 $0x108;
	_ =	swait.ge @!p0 [sflag:s8], $0x0  }
0x24: {  	s3 =	sadd.s32 $0x88, s3;
	s6 =	simm.s32 @!p1 $0x1082;
	[sflag:s4] =	ssyncset.s32 $0xFFFFF086  }
0x25: {  	[simem:s6], [sflag:s4] =	dma.local [hbm:s3], $0xF7A  }
0x26: {  	[smem:$0x3F94] =	sst s1;
	(tag) =	ssettag s2;
	_ =	strace s9  }
0x27: {  	s1 =	sld [smem:$0x3FA4]  }
0x28: {  	s2 =	sld [smem:$0x3FA5]  }
0x29: {  	s4 =	sld [smem:$0x3FA7]  }
0x2a: {  	p0 =	seq.s32 s5, $0x0;
	s5 =	sld [smem:$0x3FA8]  }
0x2b: {  	s6 =	sld [smem:$0x3FA9]  }
0x2c: {  	s7 =	sld [smem:$0x3FAA]  }
0x2d: {  	s3 =	simm.s32 $0x108;
	s8 =	sld [smem:$0x3FAB]  }
0x2e: {  	s3 =	simm.s32 @!p0 $0x1082;
	s9 =	sld [smem:$0x3FAC]  }
0x2f: {  	lr =	sadd.s32 s0, s3;
	s0 =	sld [smem:$0x3FA3]  }
0x30: {  	s3 =	sld [smem:$0x3FA6]  }
0x31: {  	[smem:$0x3FAF] =	sst s10  }
0x32: {  	s10 =	sld [smem:$0x3FAD];
	_ =	sdelay $0x3  }
0x33: {  	p0 =	seq.s32 s10, $0x1;
	s10 =	sld [smem:$0x3FAF];
	_ =	sdelay $0x3  }
0x34: {  	[smem:$0x3FAF] =	sst s10  }
0x35: {  	s10 =	sld [smem:$0x3FAE];
	_ =	sdelay $0x3  }
0x36: {  	p1 =	seq.s32 s10, $0x1;
	s10 =	sld [smem:$0x3FAF];
	_ =	sdelay $0x3  }
0x37: {  	[smem:$0x3FAF] =	sst s10  }
0x38: {  	s10 =	sld [smem:$0x3FB0]  }
0x39: {  	_ = 	snop;
	(pc) =	sbr.ind lr, $3  }
0x3a: {  	_ = 	snop  }
0x3b: {  	_ = 	snop  }
0x3c: {  	p2 =	seq.s32 s10, $0x1;
	s10 =	sld [smem:$0x3FAF]  }
0x3d: {  	_ =	shalt  }
0x3e: {  	_ =	shalt  }
0x3f: {  	_ =	shalt  }
0x40: {  	_ =	shalt  }
0x41: {  	_ =	shalt  }
0x42: {  	_ =	shalt  }
0x43: {  	_ =	shalt  }
0x44: {  	_ =	shalt  }
0x45: {  	_ =	shalt  }
0x46: {  	_ =	shalt  }
0x47: {  	_ =	shalt  }
0x48: {  	_ =	shalt  }
0x49: {  	_ =	shalt  }
0x4a: {  	_ =	shalt  }
0x4b: {  	_ =	shalt  }
0x4c: {  	_ =	shalt  }
0x4d: {  	_ =	shalt  }
0x4e: {  	_ =	shalt  }
0x4f: {  	_ =	shalt  }
0x50: {  	_ =	shalt  }
0x51: {  	_ =	shalt  }
0x52: {  	_ =	shalt  }
0x53: {  	_ =	shalt  }
0x54: {  	_ =	shalt  }
0x55: {  	_ =	shalt  }
0x56: {  	_ =	shalt  }
0x57: {  	_ =	shalt  }
0x58: {  	_ =	shalt  }
0x59: {  	_ =	shalt  }
0x5a: {  	_ =	shalt  }
0x5b: {  	_ =	shalt  }
0x5c: {  	_ =	shalt  }
0x5d: {  	_ =	shalt  }
0x5e: {  	_ =	shalt  }
0x5f: {  	_ =	shalt  }
0x60: {  	_ =	shalt  }
0x61: {  	_ =	shalt  }
0x62: {  	_ =	shalt  }
0x63: {  	_ =	shalt  }
0x64: {  	_ =	shalt  }
0x65: {  	_ =	shalt  }
0x66: {  	_ =	shalt  }
0x67: {  	_ =	shalt  }
0x68: {  	_ =	shalt  }
0x69: {  	_ =	shalt  }
0x6a: {  	_ =	shalt  }
0x6b: {  	_ =	shalt  }
0x6c: {  	_ =	shalt  }
0x6d: {  	_ =	shalt  }
0x6e: {  	_ =	shalt  }
0x6f: {  	_ =	shalt  }
0x70: {  	_ =	shalt  }
0x71: {  	_ =	shalt  }
0x72: {  	_ =	shalt  }
0x73: {  	_ =	shalt  }
0x74: {  	_ =	shalt  }
0x75: {  	_ =	shalt  }
0x76: {  	_ =	shalt  }
0x77: {  	_ =	shalt  }
0x78: {  	_ =	shalt  }
0x79: {  	_ =	shalt  }
0x7a: {  	_ =	shalt  }
0x7b: {  	_ =	shalt  }
0x7c: {  	_ =	shalt  }
0x7d: {  	_ =	shalt  }
0x7e: {  	_ =	shalt  }
0x7f: {  	_ =	shalt  }
0x80: {  	_ =	shalt  }
0x81: {  	_ =	shalt  }
0x82: {  	_ =	shalt  }
0x83: {  	_ =	shalt  }
0x84: {  	_ =	shalt  }
0x85: {  	_ =	shalt  }
0x86: {  	_ =	shalt  }
0x87: {  	_ =	shalt  }
.Lfunc_end0:
.L_simem_size_0:
called_computation_lowered:
.L_overlay_start_0:
0x88: {  	s2 =	sld [smem:$0x3FD9]  }
0x89: {  	s3 =	sld [smem:$0x3FFE];
	_ =	sdelay $0x1  }
0x8a: {  	s1 =	srdreg.scid  }
0x8b: {  	s0 =	sand.u32 $0x1, s1  }
0x8c: {  	s17 =	sshll.u32 s0, $0xA;
	s2 =	sadd.s32 s3, s2  }
0x8d: {  	s2 =	sadd.s32 s2, s17  }
0x8e: {  	[smem:$0x3FBB] =	sst s2  }
0x8f: {  	_ = 	snop  }
0x90: {  	s2 =	sld [smem:$0x3FC9]  }
0x91: {  	s18 =	sld [smem:$0x3FC8]  }
0x92: {  	s4 =	sld [smem:$0x3FC7]  }
0x93: {  	s5 =	sld [smem:$0x3FD0];
	(tm) =	ssettm $0x1  }
0x94: {  	s6 =	sld [smem:$0x3FFB];
	_ =	sdelay $0x3  }
0x95: {  	_ =	strace s6  }
0x96: {  	s6 =	sld [smem:$0x3FFC];
	_ =	sdelay $0x3  }
0x97: {  	_ =	strace s6  }
0x98: {  	s6 =	sld [smem:$0x3FFD];
	_ =	sdelay $0x3  }
0x99: {  	_ =	strace s6  }
0x9a: {  	_ =	strace $0x8FFFFFFF  }
0x9b: {  	s19 =	sld [smem:$0x3FDB];
	_ =	sdelay $0x1  }
0x9c: {  	s7 =	simm.s32 $_scs_section_size  }
0x9d: {  	s8 =	simm.s32 $_size__tile_overlayer_lowered;
	s9 =	simm.s32 $_tile_overlayer_lowered  }
0x9e: {  	s22 =	simm.s32 $0x1BFF;
	s21 =	sshll.u32 s9, $0x1;
	s6 =	sadd.s32 s7, s19  }
0x9f: {  	s10 =	simm.s32 $0x0;
	s20 =	sshll.u32 s8, $0x1;
	s8 =	sadd.s32 s21, s6  }
0xa0: {  	[timem:s10], [sflag:s22] =	dma.local [hbm:s8], s20  }
0xa1: {  	_ =	swait.ge [sflag:s22], s20  }
0xa2: {  	s7 =	ssub.s32 $0x0, s20;
	[sflag:s22] =	ssyncset.done $0x0  }
0xa3: {  	[sflag:s22] =	ssyncadd.s32 s7;
	_ =	sdelay $0x1  }
0xa4: {  	s23 =	simm.s32 $0x1B8B  }
0xa5: {  	_ =	swait.ge [sflag:s23], $0x1  }
0xa6: {  	[sflag:s23] =	ssyncset.done $0x0  }
0xa7: {  	s25 =	simm.s32 $0x1B8E;
	s24 =	sld [smem:$0x3FFE];
	[sflag:s23] =	ssyncadd.s32 $0xFFFFFFFF  }
0xa8: {  	s26 =	simm.s32 $execute0_lowered;
	[smem:$0x3FD2] =	sst s25  }
0xa9: {  	s8 =	sshll.u32 s26, $0x1;
	_ =	strace $0x80000046;
	[dreg:$0x1] =	wrdreg $0xFFFFFFFF  }
0xaa: {  	s28 =	simm.s32 $_size_execute0_lowered;
	s6 =	sadd.s32 s6, s8;
	[dreg:$0x0] =	wrdreg $0x0  }
0xab: {  	s8 =	sshll.u32 s28, $0x1;
	[dreg:$0x2] =	wrdreg s6  }
0xac: {  	[dreg:$0x3] =	wrdreg s8  }
0xad: {  	[dreg:$0x4] =	wrdreg $0xC0  }
0xae: {  	_ =	task [dreg:s10], $0x5FFFF  }
0xaf: {  	[dreg:$0x1] =	wrdreg $0xFFFFFFFF  }
0xb0: {  	[dreg:$0x0] =	wrdreg $0x60  }
0xb1: {  	[dreg:$0x2] =	wrdreg s2  }
0xb2: {  	[dreg:$0x3] =	wrdreg s18  }
0xb3: {  	[dreg:$0x4] =	wrdreg s4  }
0xb4: {  	[dreg:$0x5] =	wrdreg s24  }
0xb5: {  	[dreg:$0x6] =	wrdreg s5  }
0xb6: {  	[dreg:$0x7] =	wrdreg $0x29000  }
0xb7: {  	[dreg:$0x8] =	wrdreg $0x9  }
0xb8: {  	_ =	task.clear_ibuf [dreg:s10], $0x9FFFF;
	_ =	strace $0x90000046  }
0xb9: {  	s29 =	simm.s32 $0x9;
	_ =	strace $0x80000048  }
0xba: {  	_ =	swait.ge [sflag:s29], $0x1  }
0xbb: {  	[sflag:s29] =	ssyncadd.s32 $0xFFFFFFFF  }
0xbc: {  	_ =	strace $0x90000048  }
0xbd: {  	_ =	sfence  }
0xbe: {  	s30 =	sld [smem:$0x0];
	_ =	sdelay $0x2  }
0xbf: {  	s31 =	sshll.u32 s1, $0xD;
	s1 =	sshrl.u32 s1, $0x2  }
0xc0: {  	s3 =	sand.u32 $0x4000, s31;
	s1 =	sadd.s32 s1, s30  }
0xc1: {  	s0 =	sor.u32 s3, s0;
	s1 =	sshll.u32 s1, $0x11  }
0xc2: {  	s0 =	sor.u32 s1, s0  }
0xc3: {  	s0 =	sadd.s32 $0x8F2B, s0  }
0xc4: {  	[sflag:s0] =	ssyncadd.remote.s32 $0x1  }
0xc5: {  	_ =	sfence.sel $0xFFFF  }
0xc6: {  	[dreg:$0x0] =	wrdreg $0xFFFFFFFF;
	(pc) =	sbr.abs _section_cstart, $3  }
0xc7: {  	[dreg:$0x1] =	wrdreg $0xFFFFFFFF  }
0xc8: {  	_ =	task.clear_ibuf [dreg:s10], $0x2FFFF;
	_ =	strace $0x9FFFFFFF  }
0xc9: {  	(tm) =	ssettm $0x7FFFFFFF  }
tec
execute0_lowered:
.L_overlay_start_1:
0x0: {  	(tag) =	ssettag $0x1  }
0x1: {  	s0 =	rddreg [dreg:$0x0]  }
0x2: {  	s1 =	rddreg [dreg:$0x1]  }
0x3: {  	s2 =	rddreg [dreg:$0x3]  }
0x4: {  	s3 =	srdreg.scid;
	s4 =	rddreg [dreg:$0x4]  }
0x5: {  	s17 =	stileid.u32;
	s12 =	rddreg [dreg:$0x5]  }
0x6: {  	s5 =	simm.s32 $0x0;
	s18 =	simm.s32 $0x2880;
	s19 =	simm.s32 $0x2000  }
0x7: {  	s25 =	simm.s32 $0x2980;
	s21 =	simm.s32 $0x2A00;
	s26 =	simm.s32 $0x3200  }
0x8: {  	s28 =	simm.s32 $0x18A00;
	s29 =	simm.s32 $0x19200;
	s30 =	simm.s32 $0x19A00  }
0x9: {  	s31 =	simm.s32 $0x1A200;
	s20 =	simm.s32 $0x0;
	s3 =	sand.u32 $0x1, s3  }
0xa: {  	s6 =	sshll.u32 s17, $0x7;
	[smem:$0x7FF] =	sst s5;
	s8 =	sadd.s32 $0x2600, s2  }
0xb: {  	s13 =	sadd.s32 $0x200, s1;
	p0 =	sne.s32 s17, $0x0;
	s7 =	sshll.u32 s3, $0x6  }
0xc: {  	_ =	strace $0x80000047;
	s10 =	ssub.s32 $0x2, s3;
	s3 =	sor.u32 s3, s17  }
0xd: {  	s17 =	simm.s32 $0x3;
	s9 =	sor.u32 s7, s6;
	s7 =	sadd.s32 $0x2400, s2  }
0xe: {  	s11 =	sshrl.u32 s10, $0x1;
	p1 =	sne.s32 s3, $0x0;
	s3 =	simm.s32 $0x1  }
.Ltmp0:
0xf: {  	s6 =	sshrl.u32 s9, $0x3;
	s16 =	ssub.s32 s10, s11;
	(pc) =	sbr.rel .LBB2_1-.Ltmp0, $4  }
0x10: {  	s9 =	sadd.s32 s9, s12;
	s10 =	sadd.s32 $0x100, s0;
	s14 =	smul.u32 $0x300, s6  }
0x11: {  	v0 =	vlaneseq.u32;
	s11 =	sadd.s32 $0x200, s0;
	s12 =	sadd.s32 $0x100, s1;
	s6 =	sadd.s32 $0x32800, s2  }
0x12: {  	v1 =	vimm.s32 $0x0;
	vm0 =	vmmov $0xffff;
	v3 =	vshrl.u32 v0, $0x3;
	s16 =	smax.u32 s16, $0x1;
	s2 =	sadd.s32 s14, s2;
	s14 =	sadd.s32 s4, s14  }
0x13: {  	v2 =	vand.u32 $0x7, v0;
	v4 =	vor.u32 $0x8, v0;
	v3 =	vmul.u32 $0x8, v3;
	s4 =	simm.s32 $0x2;
	s15 =	sadd.s32 $0x2800, s2;
	s2 =	simm.s32 $0xEA00  }
.LBB2_7:
0x14: {  	s22 =	simm.s32 @!p1 $0x0;
	s23 =	simm.s32 @!p1 $0x1800  }
0x15: {  	[hbm4b:s6+s22] =	stream.linear.scatter @!p1 [tilespmem:s23], [sflag:$0x3], $0x800, $0x38;
	[tilespmem:$0x1AA00] =	vst v63  }
0x16: {  	s23 =	simm.s32 @!p1 $0x3  }
0x17: {  	_ =	swait.ge @!p1 [sflag:s23], $0x800  }
0x18: {  	[sflag:s23] =	ssyncset.done @!p1 $0x0  }
0x19: {  	s24 =	simm.s32 @!p1 $0x2000;
	[sflag:s23] =	ssyncadd.s32 @!p1 $0xFFFFF800  }
0x1a: {  	[hbm4b:s7+s22] =	stream.linear.scatter @!p1 [tilespmem:s24], [sflag:$0x3], $0x800, $0x38;
	[tilespmem:$0x1AA00] =	vst v63  }
0x1b: {  	_ =	swait.ge @!p1 [sflag:s23], $0x800  }
0x1c: {  	[sflag:s23] =	ssyncset.done @!p1 $0x0  }
0x1d: {  	s24 =	simm.s32 @!p1 $0x2800;
	[sflag:s23] =	ssyncadd.s32 @!p1 $0xFFFFF800  }
0x1e: {  	[hbm4b:s8+s22] =	stream.linear.scatter @!p1 [tilespmem:s24], [sflag:$0x3], $0x80, $0x38;
	[tilespmem:$0x1AA00] =	vst v63  }
0x1f: {  	_ =	swait.ge @!p1 [sflag:s23], $0x80  }
0x20: {  	[sflag:s23] =	ssyncset.done @!p1 $0x0  }
0x21: {  	[sflag:s23] =	ssyncadd.s32 @!p1 $0xFFFFFF80  }
0x22: {  	[bflag:$0x0] =	sbarrier.arrive $0xFFFF  }
0x23: {  	[tilespmem:s25], [sflag:$0x3] =	stream.linear.gather [spmem:s9], $0x40, $0x38;
	[tilespmem:$0x1AA00] =	vst v63  }
0x24: {  	_ =	swait.ge [sflag:s17], $0x40  }
0x25: {  	[sflag:s17] =	ssyncset.done $0x0  }
0x26: {  	[sflag:s17] =	ssyncadd.s32 $0xFFFFFFC0  }
0x27: {  	v5 =	vld [tilespmem:$0x2980];
	_ =	sdelay $0x4  }
0x28: {  	v6 =	vshrl.u32 v5, $0x3  }
0x29: {  	v6 =	vmul.u32 $0x30, v6  }
0x2a: {  	v5 =	vand.u32 $0x7, v5  }
0x2b: {  	v5 =	vor.u32 v5, v6  }
0x2c: {  	v6 =	vperm.xlane v5, v2;
	_ =	sdelay $0x1  }
0x2d: {  	v6 =	vadd.s32 v3, v6;
	_ =	sdelay $0x3  }
0x2e: {  	v5 =	vperm.xlane v5, v4  }
0x2f: {  	[tilespmem:s21], [sflag:$0x1] =	stream.indirect_vreg.gather [hbm4b:s0+s5], $0x80, v6, vm0, $0xb8;
	[tilespmem:$0x1AA00] =	vst v63  }
0x30: {  	v5 =	vadd.s32 v3, v5  }
0x31: {  	[tilespmem:s26], [sflag:$0x1] =	stream.indirect_vreg.gather [hbm4b:s10+s5], $0x80, v6, vm0, $0xb8;
	[tilespmem:$0x1AA00] =	vst v63  }
0x32: {  	s24 =	simm.s32 $0x3A00  }
0x33: {  	[tilespmem:s24], [sflag:$0x1] =	stream.indirect_vreg.gather [hbm4b:s11+s5], $0x80, v6, vm0, $0xb8;
	[tilespmem:$0x1AA00] =	vst v63  }
0x34: {  	s23 =	simm.s32 $0x4200  }
0x35: {  	[tilespmem:s23], [sflag:$0x1] =	stream.indirect_vreg.gather [hbm4b:s0+s5], $0x80, v5, vm0, $0xb8;
	[tilespmem:$0x1AA00] =	vst v63  }
0x36: {  	s24 =	simm.s32 $0x4A00  }
0x37: {  	[tilespmem:s24], [sflag:$0x1] =	stream.indirect_vreg.gather [hbm4b:s10+s5], $0x80, v5, vm0, $0xb8;
	[tilespmem:$0x1AA00] =	vst v63  }
0x38: {  	s23 =	simm.s32 $0x5200  }
0x39: {  	[tilespmem:s23], [sflag:$0x1] =	stream.indirect_vreg.gather [hbm4b:s11+s5], $0x80, v5, vm0, $0xb8;
	[tilespmem:$0x1AA00] =	vst v63  }
0x3a: {  	v5 =	vld [tilespmem:$0x2990];
	_ =	sdelay $0x4  }
0x3b: {  	v6 =	vshrl.u32 v5, $0x3  }
0x3c: {  	v6 =	vmul.u32 $0x30, v6  }
0x3d: {  	v5 =	vand.u32 $0x7, v5  }
0x3e: {  	v5 =	vor.u32 v5, v6  }
0x3f: {  	v6 =	vperm.xlane v5, v2;
	_ =	sdelay $0x1  }
0x40: {  	v6 =	vadd.s32 v3, v6;
	_ =	sdelay $0x3  }
0x41: {  	s24 =	simm.s32 $0x5A00;
	v5 =	vperm.xlane v5, v4  }
0x42: {  	[tilespmem:s24], [sflag:$0x1] =	stream.indirect_vreg.gather [hbm4b:s0+s5], $0x80, v6, vm0, $0xb8;
	[tilespmem:$0x1AA00] =	vst v63  }
0x43: {  	s23 =	simm.s32 $0x6200;
	v5 =	vadd.s32 v3, v5  }
0x44: {  	[tilespmem:s23], [sflag:$0x1] =	stream.indirect_vreg.gather [hbm4b:s10+s5], $0x80, v6, vm0, $0xb8;
	[tilespmem:$0x1AA00] =	vst v63  }
0x45: {  	s24 =	simm.s32 $0x6A00  }
0x46: {  	[tilespmem:s24], [sflag:$0x1] =	stream.indirect_vreg.gather [hbm4b:s11+s5], $0x80, v6, vm0, $0xb8;
	[tilespmem:$0x1AA00] =	vst v63  }
0x47: {  	s23 =	simm.s32 $0x7200  }
0x48: {  	[tilespmem:s23], [sflag:$0x1] =	stream.indirect_vreg.gather [hbm4b:s0+s5], $0x80, v5, vm0, $0xb8;
	[tilespmem:$0x1AA00] =	vst v63  }
0x49: {  	s24 =	simm.s32 $0x7A00  }
0x4a: {  	[tilespmem:s24], [sflag:$0x1] =	stream.indirect_vreg.gather [hbm4b:s10+s5], $0x80, v5, vm0, $0xb8;
	[tilespmem:$0x1AA00] =	vst v63  }
0x4b: {  	s23 =	simm.s32 $0x8200  }
0x4c: {  	[tilespmem:s23], [sflag:$0x1] =	stream.indirect_vreg.gather [hbm4b:s11+s5], $0x80, v5, vm0, $0xb8;
	[tilespmem:$0x1AA00] =	vst v63  }
0x4d: {  	v5 =	vld [tilespmem:$0x29A0];
	_ =	sdelay $0x4  }
0x4e: {  	v6 =	vshrl.u32 v5, $0x3  }
0x4f: {  	v6 =	vmul.u32 $0x30, v6  }
0x50: {  	v5 =	vand.u32 $0x7, v5  }
0x51: {  	v5 =	vor.u32 v5, v6  }
0x52: {  	v6 =	vperm.xlane v5, v2;
	_ =	sdelay $0x1  }
0x53: {  	v6 =	vadd.s32 v3, v6;
	_ =	sdelay $0x3  }
0x54: {  	s24 =	simm.s32 $0x8A00;
	v5 =	vperm.xlane v5, v4  }
0x55: {  	[tilespmem:s24], [sflag:$0x1] =	stream.indirect_vreg.gather [hbm4b:s0+s5], $0x80, v6, vm0, $0xb8;
	[tilespmem:$0x1AA00] =	vst v63  }
0x56: {  	s23 =	simm.s32 $0x9200;
	v5 =	vadd.s32 v3, v5  }
0x57: {  	[tilespmem:s23], [sflag:$0x1] =	stream.indirect_vreg.gather [hbm4b:s10+s5], $0x80, v6, vm0, $0xb8;
	[tilespmem:$0x1AA00] =	vst v63  }
0x58: {  	s24 =	simm.s32 $0x9A00  }
0x59: {  	[tilespmem:s24], [sflag:$0x1] =	stream.indirect_vreg.gather [hbm4b:s11+s5], $0x80, v6, vm0, $0xb8;
	[tilespmem:$0x1AA00] =	vst v63  }
0x5a: {  	s23 =	simm.s32 $0xA200  }
0x5b: {  	[tilespmem:s23], [sflag:$0x1] =	stream.indirect_vreg.gather [hbm4b:s0+s5], $0x80, v5, vm0, $0xb8;
	[tilespmem:$0x1AA00] =	vst v63  }
0x5c: {  	s24 =	simm.s32 $0xAA00  }
0x5d: {  	[tilespmem:s24], [sflag:$0x1] =	stream.indirect_vreg.gather [hbm4b:s10+s5], $0x80, v5, vm0, $0xb8;
	[tilespmem:$0x1AA00] =	vst v63  }
0x5e: {  	s23 =	simm.s32 $0xB200  }
0x5f: {  	[tilespmem:s23], [sflag:$0x1] =	stream.indirect_vreg.gather [hbm4b:s11+s5], $0x80, v5, vm0, $0xb8;
	[tilespmem:$0x1AA00] =	vst v63  }
0x60: {  	v5 =	vld [tilespmem:$0x29B0];
	_ =	sdelay $0x4  }
0x61: {  	v6 =	vshrl.u32 v5, $0x3  }
0x62: {  	v6 =	vmul.u32 $0x30, v6  }
0x63: {  	v5 =	vand.u32 $0x7, v5  }
0x64: {  	v5 =	vor.u32 v5, v6  }
0x65: {  	v6 =	vperm.xlane v5, v2;
	_ =	sdelay $0x1  }
0x66: {  	v6 =	vadd.s32 v3, v6;
	_ =	sdelay $0x3  }
0x67: {  	s24 =	simm.s32 $0xBA00;
	v5 =	vperm.xlane v5, v4  }
0x68: {  	[tilespmem:s24], [sflag:$0x1] =	stream.indirect_vreg.gather [hbm4b:s0+s5], $0x80, v6, vm0, $0xb8;
	[tilespmem:$0x1AA00] =	vst v63  }
0x69: {  	s23 =	simm.s32 $0xC200;
	v5 =	vadd.s32 v3, v5  }
0x6a: {  	[tilespmem:s23], [sflag:$0x1] =	stream.indirect_vreg.gather [hbm4b:s10+s5], $0x80, v6, vm0, $0xb8;
	[tilespmem:$0x1AA00] =	vst v63  }
0x6b: {  	s24 =	simm.s32 $0xCA00  }
0x6c: {  	[tilespmem:s24], [sflag:$0x1] =	stream.indirect_vreg.gather [hbm4b:s11+s5], $0x80, v6, vm0, $0xb8;
	[tilespmem:$0x1AA00] =	vst v63  }
0x6d: {  	s23 =	simm.s32 $0xD200  }
0x6e: {  	[tilespmem:s23], [sflag:$0x1] =	stream.indirect_vreg.gather [hbm4b:s0+s5], $0x80, v5, vm0, $0xb8;
	[tilespmem:$0x1AA00] =	vst v63  }
0x6f: {  	s24 =	simm.s32 $0xDA00  }
0x70: {  	[tilespmem:s24], [sflag:$0x1] =	stream.indirect_vreg.gather [hbm4b:s10+s5], $0x80, v5, vm0, $0xb8;
	[tilespmem:$0x1AA00] =	vst v63  }
0x71: {  	s23 =	simm.s32 $0xE200  }
0x72: {  	[tilespmem:s23], [sflag:$0x1] =	stream.indirect_vreg.gather [hbm4b:s11+s5], $0x80, v5, vm0, $0xb8;
	[tilespmem:$0x1AA00] =	vst v63  }
0x73: {  	v5 =	vld [tilespmem:$0x2980];
	_ =	sdelay $0x4  }
0x74: {  	v6 =	vshrl.u32 v5, $0x3  }
0x75: {  	v6 =	vmul.u32 $0x30, v6  }
0x76: {  	v5 =	vand.u32 $0x7, v5  }
0x77: {  	v5 =	vor.u32 v5, v6  }
0x78: {  	v6 =	vperm.xlane v5, v2;
	_ =	sdelay $0x1  }
0x79: {  	v6 =	vadd.s32 v3, v6;
	_ =	sdelay $0x3  }
0x7a: {  	v5 =	vperm.xlane v5, v4  }
0x7b: {  	[tilespmem:s2], [sflag:$0x2] =	stream.indirect_vreg.gather [hbm4b:s1+s5], $0x80, v6, vm0, $0xb8;
	[tilespmem:$0x1AA00] =	vst v63  }
0x7c: {  	s24 =	simm.s32 $0xF200;
	v5 =	vadd.s32 v3, v5  }
0x7d: {  	[tilespmem:s24], [sflag:$0x2] =	stream.indirect_vreg.gather [hbm4b:s12+s5], $0x80, v6, vm0, $0xb8;
	[tilespmem:$0x1AA00] =	vst v63  }
0x7e: {  	s23 =	simm.s32 $0xFA00  }
0x7f: {  	[tilespmem:s23], [sflag:$0x2] =	stream.indirect_vreg.gather [hbm4b:s13+s5], $0x80, v6, vm0, $0xb8;
	[tilespmem:$0x1AA00] =	vst v63  }
0x80: {  	s24 =	simm.s32 $0x10200  }
0x81: {  	[tilespmem:s24], [sflag:$0x2] =	stream.indirect_vreg.gather [hbm4b:s1+s5], $0x80, v5, vm0, $0xb8;
	[tilespmem:$0x1AA00] =	vst v63  }
0x82: {  	s23 =	simm.s32 $0x10A00  }
0x83: {  	[tilespmem:s23], [sflag:$0x2] =	stream.indirect_vreg.gather [hbm4b:s12+s5], $0x80, v5, vm0, $0xb8;
	[tilespmem:$0x1AA00] =	vst v63  }
0x84: {  	s24 =	simm.s32 $0x11200  }
0x85: {  	[tilespmem:s24], [sflag:$0x2] =	stream.indirect_vreg.gather [hbm4b:s13+s5], $0x80, v5, vm0, $0xb8;
	[tilespmem:$0x1AA00] =	vst v63  }
0x86: {  	v5 =	vld [tilespmem:$0x2990];
	_ =	sdelay $0x4  }
0x87: {  	v6 =	vshrl.u32 v5, $0x3  }
0x88: {  	v6 =	vmul.u32 $0x30, v6  }
0x89: {  	v5 =	vand.u32 $0x7, v5  }
0x8a: {  	v5 =	vor.u32 v5, v6  }
0x8b: {  	v6 =	vperm.xlane v5, v2;
	_ =	sdelay $0x1  }
0x8c: {  	v6 =	vadd.s32 v3, v6;
	_ =	sdelay $0x3  }
0x8d: {  	s23 =	simm.s32 $0x11A00;
	v5 =	vperm.xlane v5, v4  }
0x8e: {  	[tilespmem:s23], [sflag:$0x2] =	stream.indirect_vreg.gather [hbm4b:s1+s5], $0x80, v6, vm0, $0xb8;
	[tilespmem:$0x1AA00] =	vst v63  }
0x8f: {  	s24 =	simm.s32 $0x12200;
	v5 =	vadd.s32 v3, v5  }
0x90: {  	[tilespmem:s24], [sflag:$0x2] =	stream.indirect_vreg.gather [hbm4b:s12+s5], $0x80, v6, vm0, $0xb8;
	[tilespmem:$0x1AA00] =	vst v63  }
0x91: {  	s23 =	simm.s32 $0x12A00  }
0x92: {  	[tilespmem:s23], [sflag:$0x2] =	stream.indirect_vreg.gather [hbm4b:s13+s5], $0x80, v6, vm0, $0xb8;
	[tilespmem:$0x1AA00] =	vst v63  }
0x93: {  	s24 =	simm.s32 $0x13200  }
0x94: {  	[tilespmem:s24], [sflag:$0x2] =	stream.indirect_vreg.gather [hbm4b:s1+s5], $0x80, v5, vm0, $0xb8;
	[tilespmem:$0x1AA00] =	vst v63  }
0x95: {  	s23 =	simm.s32 $0x13A00  }
0x96: {  	[tilespmem:s23], [sflag:$0x2] =	stream.indirect_vreg.gather [hbm4b:s12+s5], $0x80, v5, vm0, $0xb8;
	[tilespmem:$0x1AA00] =	vst v63  }
0x97: {  	s24 =	simm.s32 $0x14200  }
0x98: {  	[tilespmem:s24], [sflag:$0x2] =	stream.indirect_vreg.gather [hbm4b:s13+s5], $0x80, v5, vm0, $0xb8;
	[tilespmem:$0x1AA00] =	vst v63  }
0x99: {  	v5 =	vld [tilespmem:$0x29A0];
	_ =	sdelay $0x4  }
0x9a: {  	v6 =	vshrl.u32 v5, $0x3  }
0x9b: {  	v6 =	vmul.u32 $0x30, v6  }
0x9c: {  	v5 =	vand.u32 $0x7, v5  }
0x9d: {  	v5 =	vor.u32 v5, v6  }
0x9e: {  	v6 =	vperm.xlane v5, v2;
	_ =	sdelay $0x1  }
0x9f: {  	v6 =	vadd.s32 v3, v6;
	_ =	sdelay $0x3  }
0xa0: {  	s23 =	simm.s32 $0x14A00;
	v5 =	vperm.xlane v5, v4  }
0xa1: {  	[tilespmem:s23], [sflag:$0x2] =	stream.indirect_vreg.gather [hbm4b:s1+s5], $0x80, v6, vm0, $0xb8;
	[tilespmem:$0x1AA00] =	vst v63  }
0xa2: {  	s24 =	simm.s32 $0x15200;
	v5 =	vadd.s32 v3, v5  }
0xa3: {  	[tilespmem:s24], [sflag:$0x2] =	stream.indirect_vreg.gather [hbm4b:s12+s5], $0x80, v6, vm0, $0xb8;
	[tilespmem:$0x1AA00] =	vst v63  }
0xa4: {  	s23 =	simm.s32 $0x15A00  }
0xa5: {  	[tilespmem:s23], [sflag:$0x2] =	stream.indirect_vreg.gather [hbm4b:s13+s5], $0x80, v6, vm0, $0xb8;
	[tilespmem:$0x1AA00] =	vst v63  }
0xa6: {  	s24 =	simm.s32 $0x16200  }
0xa7: {  	[tilespmem:s24], [sflag:$0x2] =	stream.indirect_vreg.gather [hbm4b:s1+s5], $0x80, v5, vm0, $0xb8;
	[tilespmem:$0x1AA00] =	vst v63  }
0xa8: {  	s23 =	simm.s32 $0x16A00  }
0xa9: {  	[tilespmem:s23], [sflag:$0x2] =	stream.indirect_vreg.gather [hbm4b:s12+s5], $0x80, v5, vm0, $0xb8;
	[tilespmem:$0x1AA00] =	vst v63  }
0xaa: {  	s24 =	simm.s32 $0x17200  }
0xab: {  	[tilespmem:s24], [sflag:$0x2] =	stream.indirect_vreg.gather [hbm4b:s13+s5], $0x80, v5, vm0, $0xb8;
	[tilespmem:$0x1AA00] =	vst v63  }
0xac: {  	v5 =	vld [tilespmem:$0x29B0];
	_ =	sdelay $0x4  }
0xad: {  	v6 =	vshrl.u32 v5, $0x3  }
0xae: {  	v6 =	vmul.u32 $0x30, v6  }
0xaf: {  	v5 =	vand.u32 $0x7, v5  }
0xb0: {  	v5 =	vor.u32 v5, v6  }
0xb1: {  	v6 =	vperm.xlane v5, v2;
	_ =	sdelay $0x1  }
0xb2: {  	v6 =	vadd.s32 v3, v6;
	_ =	sdelay $0x3  }
0xb3: {  	s23 =	simm.s32 $0x17A00;
	v5 =	vperm.xlane v5, v4  }
0xb4: {  	[tilespmem:s23], [sflag:$0x2] =	stream.indirect_vreg.gather [hbm4b:s1+s5], $0x80, v6, vm0, $0xb8;
	[tilespmem:$0x1AA00] =	vst v63  }
0xb5: {  	s24 =	simm.s32 $0x18200;
	v5 =	vadd.s32 v3, v5  }
0xb6: {  	[tilespmem:s24], [sflag:$0x2] =	stream.indirect_vreg.gather [hbm4b:s12+s5], $0x80, v6, vm0, $0xb8;
	[tilespmem:$0x1AA00] =	vst v63  }
0xb7: {  	_ = 	snop  }
0xb8: {  	[tilespmem:s28], [sflag:$0x2] =	stream.indirect_vreg.gather [hbm4b:s13+s5], $0x80, v6, vm0, $0xb8;
	[tilespmem:$0x1AA00] =	vst v63  }
0xb9: {  	_ = 	snop  }
0xba: {  	[tilespmem:s29], [sflag:$0x2] =	stream.indirect_vreg.gather [hbm4b:s1+s5], $0x80, v5, vm0, $0xb8;
	[tilespmem:$0x1AA00] =	vst v63  }
0xbb: {  	_ = 	snop  }
0xbc: {  	[tilespmem:s30], [sflag:$0x2] =	stream.indirect_vreg.gather [hbm4b:s12+s5], $0x80, v5, vm0, $0xb8;
	[tilespmem:$0x1AA00] =	vst v63  }
0xbd: {  	_ = 	snop  }
0xbe: {  	[tilespmem:s31], [sflag:$0x2] =	stream.indirect_vreg.gather [hbm4b:s13+s5], $0x80, v5, vm0, $0xb8;
	[tilespmem:$0x1AA00] =	vst v63  }
0xbf: {  	_ =	swait.ge [sflag:s3], $0xC000  }
0xc0: {  	[sflag:s3] =	ssyncset.done $0x0  }
0xc1: {  	[sflag:s3] =	ssyncadd.s32 $0xFFFF4000  }
0xc2: {  	_ =	swait.ge [sflag:s4], $0xC000  }
0xc3: {  	[sflag:s4] =	ssyncset.done $0x0  }
0xc4: {  	[sflag:s4] =	ssyncadd.s32 $0xFFFF4000  }
0xc5: {  	[hbm4b:s14+s5] =	stream.linear.scatter [tilespmem:s21], [sflag:$0x3], $0xC000, $0x38;
	[tilespmem:$0x1AA00] =	vst v63  }
0xc6: {  	s20 =	sadd.s32 $0x1, s20;
	_ =	swait.ge [sflag:s17], $0xC000  }
0xc7: {  	p2 =	sne.s32 s20, s16;
	[sflag:s17] =	ssyncset.done $0x0  }
.Ltmp1:
0xc8: {  	[sflag:s17] =	ssyncadd.s32 $0xFFFF4000;
	(pc) =	sbr.rel @!p2 .LBB2_8-.Ltmp1, $4  }
0xc9: {  	[hbm4b:s15+s5] =	stream.linear.scatter [tilespmem:s2], [sflag:$0x3], $0xC000, $0x38;
	[tilespmem:$0x1AA00] =	vst v63  }
0xca: {  	_ =	swait.ge [sflag:s17], $0xC000  }
0xcb: {  	[sflag:s17] =	ssyncset.done $0x0  }
0xcc: {  	[sflag:s17] =	ssyncadd.s32 $0xFFFF4000  }
.LBB2_1:
.Ltmp2:
0xcd: {  	(pc) =	sbr.rel @p0 .LBB2_7-.Ltmp2, $1  }
0xce: {  	_ =	sdelay $0x3  }
0xcf: {  	s22 =	simm.s32 $0x0;
	s23 =	rddreg [dreg:$0x2]  }
0xd0: {  	[tilespmem:s22], [sflag:$0x3] =	stream.linear.gather [hbm4b:s23+s22], $0x800, $0x38;
	[tilespmem:$0x1AA00] =	vst v63  }
0xd1: {  	_ =	swait.ge [sflag:s17], $0x800  }
0xd2: {  	[sflag:s17] =	ssyncset.done $0x0  }
0xd3: {  	[sflag:s17] =	ssyncadd.s32 $0xFFFFF800  }
0xd4: {  	s22 =	simm.s32 $0x0;
	s23 =	simm.s32 $0x40;
	[tilespmem:$0x2880] =	vst v1  }
.LBB2_3:
0xd5: {  	p2 =	sne.s32 s23, $0x1FC0;
	v5 =	vld [tilespmem:s22+$0x0];
	_ =	sdelay $0x4  }
0xd6: {  	v6 =	vshrl.u32 v5, $0x10  }
0xd7: {  	v5 =	vxor.u32 v5, v6  }
0xd8: {  	v5 =	vmul.u32 $0x85EBCA6B, v5;
	_ =	sdelay $0x1  }
0xd9: {  	v6 =	vshrl.u32 v5, $0xD  }
0xda: {  	v5 =	vxor.u32 v5, v6  }
0xdb: {  	v5 =	vmul.u32 $0xC2B2AE35, v5;
	_ =	sdelay $0x1  }
0xdc: {  	v6 =	vshrl.u32 v5, $0x10  }
0xdd: {  	v5 =	vxor.u32 v5, v6  }
0xde: {  	v5 =	vand.u32 $0x7, v5  }
0xdf: {  	[tilespmem:s22+$0x800] =	vst v5;
	(xrf1) =	vunique.msk.u32 $0xffff, v5;
	_ =	sdelay $0xd  }
0xe0: {  	_, v6, vm1 =	vpop (xrf1)  }
0xe1: {  	[tilespmem:s22+$0x1000] =	vst v6  }
0xe2: {  	v7 =	vld.idx.msk [tilespmem:v5+s18+$0x0], $0xffff;
	_ =	sdelay $0x2  }
.Ltmp3:
0xe3: {  	(pc) =	sbr.rel @p2 .LBB2_3-.Ltmp3, $3  }
0xe4: {  	_ =	sdelay $0x1  }
0xe5: {  	v6 =	vadd.s32 v7, v6  }
0xe6: {  	s22 =	sshra.s32 s23, $0x2;
	s23 =	sadd.s32 $0x40, s23;
	[tilespmem:v5+s18+$0x0] =	vst.idx.msk vm1, v6  }
0xe7: {  	v5 =	vld [tilespmem:s22+$0x0];
	_ =	sdelay $0x4  }
0xe8: {  	v6 =	vshrl.u32 v5, $0x10  }
0xe9: {  	v5 =	vxor.u32 v5, v6  }
0xea: {  	v5 =	vmul.u32 $0x85EBCA6B, v5;
	_ =	sdelay $0x1  }
0xeb: {  	v6 =	vshrl.u32 v5, $0xD  }
0xec: {  	v5 =	vxor.u32 v5, v6  }
0xed: {  	v5 =	vmul.u32 $0xC2B2AE35, v5;
	_ =	sdelay $0x1  }
0xee: {  	v6 =	vshrl.u32 v5, $0x10  }
0xef: {  	v5 =	vxor.u32 v5, v6  }
0xf0: {  	v5 =	vand.u32 $0x7, v5  }
0xf1: {  	(xrf1) =	vunique.msk.u32 $0xffff, v5;
	_ =	sdelay $0xd  }
0xf2: {  	[tilespmem:s22+$0x800] =	vst v5;
	_, v6, vm1 =	vpop (xrf1)  }
0xf3: {  	[tilespmem:s22+$0x1000] =	vst v6  }
0xf4: {  	v7 =	vld.idx.msk [tilespmem:v5+s18+$0x0], $0xffff;
	_ =	sdelay $0x4  }
0xf5: {  	v6 =	vadd.s32 v7, v6  }
0xf6: {  	[tilespmem:v5+s18+$0x0] =	vst.idx.msk vm1, v6  }
0xf7: {  	v5 =	vld [tilespmem:$0x2880];
	_ =	sdelay $0x4  }
0xf8: {  	(xrf0) =	vadd.scan.msk.s32 $0xffff, v5;
	_ =	sdelay $0x5  }
0xf9: {  	v6, _, _ =	vpop (xrf0)  }
0xfa: {  	v5 =	vsub.s32 v6, v5  }
0xfb: {  	[tilespmem:$0x2800] =	vst v5  }
0xfc: {  	s22 =	simm.s32 $0x800;
	[tilespmem:$0x2880] =	vst v5  }
0xfd: {  	v5 =	vld [tilespmem:s22+$0x0];
	_ =	sdelay $0x4  }
0xfe: {  	(xrf1) =	vunique.msk.u32 $0xffff, v5;
	_ =	sdelay $0x5  }
0xff: {  	s23 =	simm.s32 $0x1000  }
0x100: {  	v7 =	vld [tilespmem:s23+$0x0]  }
0x101: {  	v6 =	vld.idx.msk [tilespmem:v5+s18+$0x0], $0xffff;
	_ =	sdelay $0x4  }
0x102: {  	v6 =	vadd.s32 v7, v6  }
0x103: {  	v7 =	vadd.s32 $0xFFFFFFFF, v6;
	_, v9, vm1 =	vpop (xrf1);
	_ =	sdelay $0x2  }
0x104: {  	s25 =	simm.s32 $0x0;
	s24 =	simm.s32 $0x1800  }
0x105: {  	v8 =	vor.u32 s25, v0;
	[tilespmem:s24+$0x0] =	vst v7  }
0x106: {  	s25 =	simm.s32 $0x10;
	[tilespmem:v7+s19+$0x0] =	vst.idx.msk $0xffff, v8  }
.LBB2_5:
0x107: {  	[tilespmem:v5+s18+$0x0] =	vst.idx.msk vm1, v6;
	s22 =	sadd.s32 $0x10, s22;
	s23 =	sadd.s32 $0x10, s23;
	s24 =	sadd.s32 $0x10, s24  }
0x108: {  	p2 =	sne.s32 s25, $0x7F0;
	s26 =	smov.u32 s25;
	s25 =	sadd.s32 $0x10, s25;
	v5 =	vld [tilespmem:s22+$0x0]  }
0x109: {  	_ =	sdelay $0x3  }
0x10a: {  	(xrf1) =	vunique.msk.u32 $0xffff, v5;
	_ =	sdelay $0x6  }
0x10b: {  	v6 =	vld.idx.msk [tilespmem:v5+s18+$0x0], $0xffff  }
0x10c: {  	v7 =	vld [tilespmem:s23+$0x0];
	_ =	sdelay $0x4  }
0x10d: {  	v6 =	vadd.s32 v7, v6  }
0x10e: {  	v7 =	vadd.s32 $0xFFFFFFFF, v6;
	_, v8, vm1 =	vpop (xrf1)  }
.Ltmp4:
0x10f: {  	[tilespmem:s24+$0x0] =	vst v7;
	(pc) =	sbr.rel @p2 .LBB2_5-.Ltmp4, $3  }
0x110: {  	_ =	sdelay $0x1  }
0x111: {  	v8 =	vor.u32 s26, v0  }
0x112: {  	[tilespmem:v7+s19+$0x0] =	vst.idx.msk $0xffff, v8  }
0x113: {  	_ =	sdelay $0x4  }
.Ltmp5:
0x114: {  	[tilespmem:v5+s18+$0x0] =	vst.idx.msk vm1, v6;
	s22 =	rddreg [dreg:$0x5];
	(pc) =	sbr.rel .LBB2_7-.Ltmp5, $4  }
0x115: {  	[spmem:s22] =	stream.linear.scatter [tilespmem:s19], [sflag:$0x3], $0x800, $0x38;
	[tilespmem:$0x1AA00] =	vst v63  }
0x116: {  	_ =	swait.ge [sflag:s17], $0x800  }
0x117: {  	[sflag:s17] =	ssyncset.done $0x0  }
0x118: {  	s25 =	simm.s32 $0x2980;
	s26 =	simm.s32 $0x3200;
	[sflag:s17] =	ssyncadd.s32 $0xFFFFF800  }
.LBB2_8:
0x119: {  	_ =	sfence.sel $0x180000  }
0x11a: {  	[bflag:$0x0] =	sbarrier.arrive $0xFFFF  }
0x11b: {  	_ =	strace $0x90000047  }
0x11c: {  	[bflag:$0x2] =	sbarrier.arrive $0xFFFF  }
0x11d: {  	s0 =	rddreg [dreg:$0x6]  }
0x11e: {  	s0 =	sadd.s32 @!p0 $0x100000, s0  }
0x11f: {  	[sflag:s0] =	ssyncadd.tile.s32 @!p0 $0x1;
	_ =	shalt  }
.Lfunc_end2:
_tile_overlayer_lowered:
.L_overlay_start_2:
0x120: {  	(tag) =	ssettag $0x2  }
0x121: {  	s0 =	rddreg [dreg:$0x0];
	s2 =	stileid.u32  }
0x122: {  	s1 =	rddreg [dreg:$0x1];
	p0 =	sne.s32 s2, $0x0  }
0x123: {  	s3 =	rddreg [dreg:$0x2];
	[bflag:$0x3] =	sbarrier.arrive $0xFFFF;
	s2 =	simm.s32 @!p0 $0x1C03  }
0x124: {  	[timem:s3], [sflag:s2] =	dma.local @!p0 [hbm:s0], s1  }
0x125: {  	s0 =	simm.s32 @!p0 $0x3  }
0x126: {  	_ =	swait.ge @!p0 [sflag:s0], s1  }
0x127: {  	s1 =	ssub.s32 @!p0 $0x0, s1;
	[sflag:s0] =	ssyncset.done @!p0 $0x0  }
0x128: {  	[sflag:s0] =	ssyncadd.s32 @!p0 s1  }
0x129: {  	[bflag:$0x3] =	sbarrier.arrive $0xFFFF  }
0x12a: {  	_ =	shalt  }

// kernel: kernel.9.cloned.1.call-start
scs
__scs_entry_jumppad:
0x0: {  	(pc) =	sbr.rel $0x88, $3  }
0x1: {  	(tag) =	ssettag $0x0;
	lr =	simm.s32 $0x1  }
0x2: {  	[smem:$0x3F94] =	sst lr;
	_ =	strace $0xD0000000  }
0x3: {  	_ = 	snop  }
0x4: {  	_ = 	snop  }
0x5: {  	_ = 	snop  }
0x6: {  	_ = 	snop  }
0x7: {  	_ = 	snop  }
__scs_overlays_trampoline_lowered:
0x8: {  	[smem:$0x3FA3] =	sst s0  }
0x9: {  	[smem:$0x3FA4] =	sst s1  }
0xa: {  	[smem:$0x3FA5] =	sst s2  }
0xb: {  	[smem:$0x3FA6] =	sst s3  }
0xc: {  	[smem:$0x3FA7] =	sst s4  }
0xd: {  	[smem:$0x3FA8] =	sst s5  }
0xe: {  	[smem:$0x3FA9] =	sst s6  }
0xf: {  	[smem:$0x3FAA] =	sst s7  }
0x10: {  	[smem:$0x3FAB] =	sst s8  }
0x11: {  	[smem:$0x3FAC] =	sst s9;
	s0 =	simm.s32 @!p0 $0x0  }
0x12: {  	s1 =	sld [smem:$0x3F92];
	s0 =	simm.s32 @p0 $0x1  }
0x13: {  	[smem:$0x3FAD] =	sst s0;
	s0 =	simm.s32 @!p1 $0x0  }
0x14: {  	s2 =	sld [smem:$0x3F91];
	s0 =	simm.s32 @p1 $0x1  }
0x15: {  	[smem:$0x3FAE] =	sst s0;
	s0 =	simm.s32 @!p2 $0x0  }
0x16: {  	s3 =	sld [smem:$0x3FDB];
	s0 =	simm.s32 @p2 $0x1  }
0x17: {  	s4 =	simm.s32 $0x1BF5;
	[smem:$0x3FB0] =	sst s0  }
0x18: {  	s0 =	sld [smem:$0x3F93];
	_ =	swait.ge [sflag:s4], $0x0  }
0x19: {  	s7 =	sld [smem:$0x3F94]  }
0x1a: {  	s8 =	sadd.s32 $0xFFFFE003, lr  }
0x1b: {  	s9 =	sadd.s32 $0xFFFFFEF7, lr;
	s5 =	simm.s32 $0xFFFFFFFF;
	p2 =	slt.u32 s8, $0xFFFFF086  }
0x1c: {  	p1 =	slt.u32 s9, $0xF7A;
	s5 =	simm.s32 @!p2 $0x0  }
0x1d: {  	s5 =	simm.s32 @p1 $0x1;
	p0 =	seq.s32 s7, s2  }
0x1e: {  	s7 =	smul.u32 @!p0 $0xF7A, s2;
	p2 =	seq.s32 @!p0 s5, $0x0  }
0x1f: {  	s9 =	smul.u32 $0xF7A, s1;
	s8 =	simm.s32 @!p0 $0x1BF5;
	p2 =	por !p2, p0  }
0x20: {  	[sflag:s8] =	ssyncset.s32 @!p0 $0xFFFFF086;
	s6 =	sadd.s32 @!p0 s3, s7;
	s7 =	simm.s32 @!p0 $0x108  }
0x21: {  	s3 =	sadd.s32 s3, s9;
	s6 =	sadd.s32 @!p0 $0x88, s6;
	s7 =	simm.s32 @p2 $0x1082  }
0x22: {  	[simem:s7], [sflag:s8] =	dma.local @!p0 [hbm:s6], $0xF7A  }
0x23: {  	s9 =	sor.u32 $0xD0000000, s2;
	s6 =	simm.s32 $0x108;
	_ =	swait.ge @!p0 [sflag:s8], $0x0  }
0x24: {  	s3 =	sadd.s32 $0x88, s3;
	s6 =	simm.s32 @!p1 $0x1082;
	[sflag:s4] =	ssyncset.s32 $0xFFFFF086  }
0x25: {  	[simem:s6], [sflag:s4] =	dma.local [hbm:s3], $0xF7A  }
0x26: {  	[smem:$0x3F94] =	sst s1;
	(tag) =	ssettag s2;
	_ =	strace s9  }
0x27: {  	s1 =	sld [smem:$0x3FA4]  }
0x28: {  	s2 =	sld [smem:$0x3FA5]  }
0x29: {  	s4 =	sld [smem:$0x3FA7]  }
0x2a: {  	p0 =	seq.s32 s5, $0x0;
	s5 =	sld [smem:$0x3FA8]  }
0x2b: {  	s6 =	sld [smem:$0x3FA9]  }
0x2c: {  	s7 =	sld [smem:$0x3FAA]  }
0x2d: {  	s3 =	simm.s32 $0x108;
	s8 =	sld [smem:$0x3FAB]  }
0x2e: {  	s3 =	simm.s32 @!p0 $0x1082;
	s9 =	sld [smem:$0x3FAC]  }
0x2f: {  	lr =	sadd.s32 s0, s3;
	s0 =	sld [smem:$0x3FA3]  }
0x30: {  	s3 =	sld [smem:$0x3FA6]  }
0x31: {  	[smem:$0x3FAF] =	sst s10  }
0x32: {  	s10 =	sld [smem:$0x3FAD];
	_ =	sdelay $0x3  }
0x33: {  	p0 =	seq.s32 s10, $0x1;
	s10 =	sld [smem:$0x3FAF];
	_ =	sdelay $0x3  }
0x34: {  	[smem:$0x3FAF] =	sst s10  }
0x35: {  	s10 =	sld [smem:$0x3FAE];
	_ =	sdelay $0x3  }
0x36: {  	p1 =	seq.s32 s10, $0x1;
	s10 =	sld [smem:$0x3FAF];
	_ =	sdelay $0x3  }
0x37: {  	[smem:$0x3FAF] =	sst s10  }
0x38: {  	s10 =	sld [smem:$0x3FB0]  }
0x39: {  	_ = 	snop;
	(pc) =	sbr.ind lr, $3  }
0x3a: {  	_ = 	snop  }
0x3b: {  	_ = 	snop  }
0x3c: {  	p2 =	seq.s32 s10, $0x1;
	s10 =	sld [smem:$0x3FAF]  }
0x3d: {  	_ =	shalt  }
0x3e: {  	_ =	shalt  }
0x3f: {  	_ =	shalt  }
0x40: {  	_ =	shalt  }
0x41: {  	_ =	shalt  }
0x42: {  	_ =	shalt  }
0x43: {  	_ =	shalt  }
0x44: {  	_ =	shalt  }
0x45: {  	_ =	shalt  }
0x46: {  	_ =	shalt  }
0x47: {  	_ =	shalt  }
0x48: {  	_ =	shalt  }
0x49: {  	_ =	shalt  }
0x4a: {  	_ =	shalt  }
0x4b: {  	_ =	shalt  }
0x4c: {  	_ =	shalt  }
0x4d: {  	_ =	shalt  }
0x4e: {  	_ =	shalt  }
0x4f: {  	_ =	shalt  }
0x50: {  	_ =	shalt  }
0x51: {  	_ =	shalt  }
0x52: {  	_ =	shalt  }
0x53: {  	_ =	shalt  }
0x54: {  	_ =	shalt  }
0x55: {  	_ =	shalt  }
0x56: {  	_ =	shalt  }
0x57: {  	_ =	shalt  }
0x58: {  	_ =	shalt  }
0x59: {  	_ =	shalt  }
0x5a: {  	_ =	shalt  }
0x5b: {  	_ =	shalt  }
0x5c: {  	_ =	shalt  }
0x5d: {  	_ =	shalt  }
0x5e: {  	_ =	shalt  }
0x5f: {  	_ =	shalt  }
0x60: {  	_ =	shalt  }
0x61: {  	_ =	shalt  }
0x62: {  	_ =	shalt  }
0x63: {  	_ =	shalt  }
0x64: {  	_ =	shalt  }
0x65: {  	_ =	shalt  }
0x66: {  	_ =	shalt  }
0x67: {  	_ =	shalt  }
0x68: {  	_ =	shalt  }
0x69: {  	_ =	shalt  }
0x6a: {  	_ =	shalt  }
0x6b: {  	_ =	shalt  }
0x6c: {  	_ =	shalt  }
0x6d: {  	_ =	shalt  }
0x6e: {  	_ =	shalt  }
0x6f: {  	_ =	shalt  }
0x70: {  	_ =	shalt  }
0x71: {  	_ =	shalt  }
0x72: {  	_ =	shalt  }
0x73: {  	_ =	shalt  }
0x74: {  	_ =	shalt  }
0x75: {  	_ =	shalt  }
0x76: {  	_ =	shalt  }
0x77: {  	_ =	shalt  }
0x78: {  	_ =	shalt  }
0x79: {  	_ =	shalt  }
0x7a: {  	_ =	shalt  }
0x7b: {  	_ =	shalt  }
0x7c: {  	_ =	shalt  }
0x7d: {  	_ =	shalt  }
0x7e: {  	_ =	shalt  }
0x7f: {  	_ =	shalt  }
0x80: {  	_ =	shalt  }
0x81: {  	_ =	shalt  }
0x82: {  	_ =	shalt  }
0x83: {  	_ =	shalt  }
0x84: {  	_ =	shalt  }
0x85: {  	_ =	shalt  }
0x86: {  	_ =	shalt  }
0x87: {  	_ =	shalt  }
.Lfunc_end0:
.L_simem_size_0:
called_computation.1_lowered:
.L_overlay_start_0:
0x88: {  	s2 =	sld [smem:$0x3FD9]  }
0x89: {  	s3 =	sld [smem:$0x3FFE];
	_ =	sdelay $0x1  }
0x8a: {  	s1 =	srdreg.scid  }
0x8b: {  	s0 =	sand.u32 $0x1, s1  }
0x8c: {  	s17 =	sshll.u32 s0, $0xA;
	s2 =	sadd.s32 s3, s2  }
0x8d: {  	s2 =	sadd.s32 s2, s17  }
0x8e: {  	[smem:$0x3FBB] =	sst s2  }
0x8f: {  	_ = 	snop  }
0x90: {  	s2 =	sld [smem:$0x3FD0];
	(tm) =	ssettm $0x1  }
0x91: {  	s18 =	sld [smem:$0x3FFB];
	_ =	sdelay $0x3  }
0x92: {  	_ =	strace s18  }
0x93: {  	s3 =	sld [smem:$0x3FFC];
	_ =	sdelay $0x3  }
0x94: {  	_ =	strace s3  }
0x95: {  	s3 =	sld [smem:$0x3FFD];
	_ =	sdelay $0x3  }
0x96: {  	_ =	strace s3  }
0x97: {  	_ =	strace $0x8FFFFFFF  }
0x98: {  	s19 =	sld [smem:$0x3FDB];
	_ =	sdelay $0x1  }
0x99: {  	s4 =	simm.s32 $_scs_section_size  }
0x9a: {  	s5 =	simm.s32 $_size__tile_overlayer_lowered;
	s6 =	simm.s32 $_tile_overlayer_lowered  }
0x9b: {  	s22 =	simm.s32 $0x1BFF;
	s21 =	sshll.u32 s6, $0x1;
	s3 =	sadd.s32 s4, s19  }
0x9c: {  	s7 =	simm.s32 $0x0;
	s20 =	sshll.u32 s5, $0x1;
	s5 =	sadd.s32 s21, s3  }
0x9d: {  	[timem:s7], [sflag:s22] =	dma.local [hbm:s5], s20  }
0x9e: {  	_ =	swait.ge [sflag:s22], s20  }
0x9f: {  	s4 =	ssub.s32 $0x0, s20;
	[sflag:s22] =	ssyncset.done $0x0  }
0xa0: {  	[sflag:s22] =	ssyncadd.s32 s4;
	_ =	sdelay $0x1  }
0xa1: {  	s23 =	simm.s32 $0x1B8B  }
0xa2: {  	_ =	swait.ge [sflag:s23], $0x1  }
0xa3: {  	[sflag:s23] =	ssyncset.done $0x0  }
0xa4: {  	s25 =	simm.s32 $0x1B8E;
	s24 =	sld [smem:$0x3FFE];
	[sflag:s23] =	ssyncadd.s32 $0xFFFFFFFF  }
0xa5: {  	s26 =	simm.s32 $execute0_lowered;
	[smem:$0x3FD2] =	sst s25  }
0xa6: {  	s5 =	sshll.u32 s26, $0x1;
	_ =	strace $0x80000049;
	[dreg:$0x1] =	wrdreg $0xFFFFFFFF  }
0xa7: {  	s28 =	simm.s32 $_size_execute0_lowered;
	s3 =	sadd.s32 s3, s5;
	[dreg:$0x0] =	wrdreg $0x0  }
0xa8: {  	s5 =	sshll.u32 s28, $0x1;
	[dreg:$0x2] =	wrdreg s3  }
0xa9: {  	[dreg:$0x3] =	wrdreg s5  }
0xaa: {  	[dreg:$0x4] =	wrdreg $0xC0  }
0xab: {  	_ =	task [dreg:s7], $0x5FFFF  }
0xac: {  	[dreg:$0x1] =	wrdreg $0xFFFFFFFF  }
0xad: {  	[dreg:$0x0] =	wrdreg $0x60  }
0xae: {  	[dreg:$0x2] =	wrdreg s24  }
0xaf: {  	[dreg:$0x3] =	wrdreg s2  }
0xb0: {  	[dreg:$0x4] =	wrdreg $0x9  }
0xb1: {  	_ =	task.clear_ibuf [dreg:s7], $0x5FFFF;
	_ =	strace $0x90000049  }
0xb2: {  	s29 =	simm.s32 $0x9;
	_ =	strace $0x8000004B  }
0xb3: {  	_ =	swait.ge [sflag:s29], $0x1  }
0xb4: {  	[sflag:s29] =	ssyncadd.s32 $0xFFFFFFFF  }
0xb5: {  	_ =	strace $0x9000004B  }
0xb6: {  	_ =	sfence  }
0xb7: {  	s30 =	sld [smem:$0x0];
	_ =	sdelay $0x2  }
0xb8: {  	s31 =	sshll.u32 s1, $0xD;
	s1 =	sshrl.u32 s1, $0x2  }
0xb9: {  	s3 =	sand.u32 $0x4000, s31;
	s1 =	sadd.s32 s1, s30  }
0xba: {  	s0 =	sor.u32 s3, s0;
	s1 =	sshll.u32 s1, $0x11  }
0xbb: {  	s0 =	sor.u32 s1, s0  }
0xbc: {  	s0 =	sadd.s32 $0x8F2B, s0  }
0xbd: {  	[sflag:s0] =	ssyncadd.remote.s32 $0x1  }
0xbe: {  	_ =	sfence.sel $0xFFFF  }
0xbf: {  	[dreg:$0x0] =	wrdreg $0xFFFFFFFF;
	(pc) =	sbr.abs _section_cstart, $3  }
0xc0: {  	[dreg:$0x1] =	wrdreg $0xFFFFFFFF  }
0xc1: {  	_ =	task.clear_ibuf [dreg:s7], $0x2FFFF;
	_ =	strace $0x9FFFFFFF  }
0xc2: {  	(tm) =	ssettm $0x7FFFFFFF  }
0xc3: {  	_ =	shalt  }
tec
execute0_lowered:
.L_overlay_start_1:
0x0: {  	(tag) =	ssettag $0x1  }
0x1: {  	s0 =	rddreg [dreg:$0x0]  }
0x2: {  	s5 =	rddreg [dreg:$0x1];
	s3 =	srdreg.scid  }
0x3: {  	s2 =	simm.s32 $0x0;
	s1 =	stileid.u32;
	s26 =	simm.s32 $0x880  }
0x4: {  	s10 =	simm.s32 $0x1880;
	s11 =	simm.s32 $0x2080;
	s12 =	simm.s32 $0x2880  }
0x5: {  	s13 =	simm.s32 $0x3080;
	s14 =	simm.s32 $0x3880;
	s15 =	simm.s32 $0x4080  }
0x6: {  	s16 =	simm.s32 $0x4880;
	s17 =	simm.s32 $0x5080;
	s18 =	simm.s32 $0x5880  }
0x7: {  	s19 =	simm.s32 $0x6080;
	s20 =	simm.s32 $0x6880;
	s21 =	simm.s32 $0x7080  }
0x8: {  	s22 =	simm.s32 $0x7880;
	s28 =	simm.s32 $0xA080;
	s29 =	simm.s32 $0xA880  }
0x9: {  	s30 =	simm.s32 $0xB080;
	s31 =	simm.s32 $0xB880;
	s3 =	sand.u32 $0x1, s3  }
0xa: {  	[smem:$0x7FF] =	sst s2;
	s4 =	sshll.u32 s1, $0x4;
	s6 =	sshll.u32 s3, $0x3  }
0xb: {  	_ =	strace $0x8000004A;
	s23 =	ssub.s32 $0x2, s3;
	s3 =	sadd.s32 $0x2400, s0  }
0xc: {  	[dreg:$0x5] =	wrdreg s26;
	s26 =	simm.s32 $0x9880;
	s4 =	sor.u32 s6, s4  }
0xd: {  	s8 =	sshrl.u32 s23, $0x1;
	s7 =	sadd.s32 s4, s0;
	s9 =	smul.u32 $0x300, s4  }
0xe: {  	s6 =	ssub.s32 s23, s8;
	s4 =	sadd.s32 $0x2500, s0;
	s8 =	simm.s32 $0x80  }
0xf: {  	s23 =	simm.s32 $0x8080;
	s24 =	sadd.s32 $0x32800, s7;
	s6 =	smax.u32 s6, $0x1  }
0x10: {  	v2 =	vlaneseq.u32;
	s7 =	simm.s32 $0x2;
	[dreg:$0x3] =	wrdreg s24;
	s25 =	sadd.s32 s5, s9  }
0x11: {  	vm0 =	vmmov $0xffff;
	v1 =	vshrl.u32 v2, $0x3;
	s5 =	sadd.s32 $0x2600, s0;
	s9 =	simm.s32 $0x1080;
	s24 =	simm.s32 $0x8880  }
0x12: {  	v0 =	vand.u32 $0x7, v2;
	v2 =	vor.u32 $0x8, v2;
	v1 =	vmul.u32 $0x8, v1;
	s0 =	simm.s32 $0x1;
	[dreg:$0x4] =	wrdreg s25;
	s25 =	simm.s32 $0x9080  }
.LBB2_1:
0x13: {  	s1 =	rddreg [dreg:$0x3]  }
0x14: {  	[tilespmem:s2], [sflag:$0x2] =	stream.linear.gather [hbm4b:s1+s2], $0x40, $0x38;
	[tilespmem:$0xC080] =	vst v63  }
0x15: {  	_ =	swait.ge [sflag:s7], $0x40  }
0x16: {  	[sflag:s7] =	ssyncset.done $0x0  }
0x17: {  	[sflag:s7] =	ssyncadd.s32 $0xFFFFFFC0  }
0x18: {  	v3 =	vld [tilespmem:$0x0];
	_ =	sdelay $0x4  }
0x19: {  	v4 =	vshrl.u32 v3, $0x3  }
0x1a: {  	v4 =	vmul.u32 $0x30, v4  }
0x1b: {  	v3 =	vand.u32 $0x7, v3  }
0x1c: {  	v3 =	vor.u32 v3, v4  }
0x1d: {  	v4 =	vperm.xlane v3, v0;
	_ =	sdelay $0x1  }
0x1e: {  	v4 =	vadd.s32 v1, v4;
	_ =	sdelay $0x3  }
0x1f: {  	v3 =	vperm.xlane v3, v2  }
0x20: {  	[tilespmem:s8], [sflag:$0x1] =	stream.indirect_vreg.gather [hbm4b:s3+s2], $0x80, v4, vm0, $0xb8;
	[tilespmem:$0xC080] =	vst v63  }
0x21: {  	s1 =	rddreg [dreg:$0x5];
	v3 =	vadd.s32 v1, v3  }
0x22: {  	[tilespmem:s1], [sflag:$0x1] =	stream.indirect_vreg.gather [hbm4b:s4+s2], $0x80, v4, vm0, $0xb8;
	[tilespmem:$0xC080] =	vst v63  }
0x23: {  	_ = 	snop  }
0x24: {  	[tilespmem:s9], [sflag:$0x1] =	stream.indirect_vreg.gather [hbm4b:s5+s2], $0x80, v4, vm0, $0xb8;
	[tilespmem:$0xC080] =	vst v63  }
0x25: {  	_ = 	snop  }
0x26: {  	[tilespmem:s10], [sflag:$0x1] =	stream.indirect_vreg.gather [hbm4b:s3+s2], $0x80, v3, vm0, $0xb8;
	[tilespmem:$0xC080] =	vst v63  }
0x27: {  	_ = 	snop  }
0x28: {  	[tilespmem:s11], [sflag:$0x1] =	stream.indirect_vreg.gather [hbm4b:s4+s2], $0x80, v3, vm0, $0xb8;
	[tilespmem:$0xC080] =	vst v63  }
0x29: {  	_ = 	snop  }
0x2a: {  	[tilespmem:s12], [sflag:$0x1] =	stream.indirect_vreg.gather [hbm4b:s5+s2], $0x80, v3, vm0, $0xb8;
	[tilespmem:$0xC080] =	vst v63  }
0x2b: {  	v3 =	vld [tilespmem:$0x10];
	_ =	sdelay $0x4  }
0x2c: {  	v61 =	vshrl.u32 v3, $0x3  }
0x2d: {  	v4 =	vmul.u32 $0x30, v61  }
0x2e: {  	v3 =	vand.u32 $0x7, v3  }
0x2f: {  	v3 =	vor.u32 v3, v4  }
0x30: {  	v4 =	vperm.xlane v3, v0;
	_ =	sdelay $0x1  }
0x31: {  	v4 =	vadd.s32 v1, v4;
	_ =	sdelay $0x3  }
0x32: {  	v3 =	vperm.xlane v3, v2  }
0x33: {  	[tilespmem:s13], [sflag:$0x1] =	stream.indirect_vreg.gather [hbm4b:s3+s2], $0x80, v4, vm0, $0xb8;
	[tilespmem:$0xC080] =	vst v63  }
0x34: {  	v3 =	vadd.s32 v1, v3  }
0x35: {  	[tilespmem:s14], [sflag:$0x1] =	stream.indirect_vreg.gather [hbm4b:s4+s2], $0x80, v4, vm0, $0xb8;
	[tilespmem:$0xC080] =	vst v63  }
0x36: {  	_ = 	snop  }
0x37: {  	[tilespmem:s15], [sflag:$0x1] =	stream.indirect_vreg.gather [hbm4b:s5+s2], $0x80, v4, vm0, $0xb8;
	[tilespmem:$0xC080] =	vst v63  }
0x38: {  	_ = 	snop  }
0x39: {  	[tilespmem:s16], [sflag:$0x1] =	stream.indirect_vreg.gather [hbm4b:s3+s2], $0x80, v3, vm0, $0xb8;
	[tilespmem:$0xC080] =	vst v63  }
0x3a: {  	_ = 	snop  }
0x3b: {  	[tilespmem:s17], [sflag:$0x1] =	stream.indirect_vreg.gather [hbm4b:s4+s2], $0x80, v3, vm0, $0xb8;
	[tilespmem:$0xC080] =	vst v63  }
0x3c: {  	_ = 	snop  }
0x3d: {  	[tilespmem:s18], [sflag:$0x1] =	stream.indirect_vreg.gather [hbm4b:s5+s2], $0x80, v3, vm0, $0xb8;
	[tilespmem:$0xC080] =	vst v63  }
0x3e: {  	v3 =	vld [tilespmem:$0x20];
	_ =	sdelay $0x4  }
0x3f: {  	v62 =	vshrl.u32 v3, $0x3  }
0x40: {  	v4 =	vmul.u32 $0x30, v62  }
0x41: {  	v3 =	vand.u32 $0x7, v3  }
0x42: {  	v3 =	vor.u32 v3, v4  }
0x43: {  	v4 =	vperm.xlane v3, v0;
	_ =	sdelay $0x1  }
0x44: {  	v4 =	vadd.s32 v1, v4;
	_ =	sdelay $0x3  }
0x45: {  	v3 =	vperm.xlane v3, v2  }
0x46: {  	[tilespmem:s19], [sflag:$0x1] =	stream.indirect_vreg.gather [hbm4b:s3+s2], $0x80, v4, vm0, $0xb8;
	[tilespmem:$0xC080] =	vst v63  }
0x47: {  	v3 =	vadd.s32 v1, v3  }
0x48: {  	[tilespmem:s20], [sflag:$0x1] =	stream.indirect_vreg.gather [hbm4b:s4+s2], $0x80, v4, vm0, $0xb8;
	[tilespmem:$0xC080] =	vst v63  }
0x49: {  	_ = 	snop  }
0x4a: {  	[tilespmem:s21], [sflag:$0x1] =	stream.indirect_vreg.gather [hbm4b:s5+s2], $0x80, v4, vm0, $0xb8;
	[tilespmem:$0xC080] =	vst v63  }
0x4b: {  	_ = 	snop  }
0x4c: {  	[tilespmem:s22], [sflag:$0x1] =	stream.indirect_vreg.gather [hbm4b:s3+s2], $0x80, v3, vm0, $0xb8;
	[tilespmem:$0xC080] =	vst v63  }
0x4d: {  	_ = 	snop  }
0x4e: {  	[tilespmem:s23], [sflag:$0x1] =	stream.indirect_vreg.gather [hbm4b:s4+s2], $0x80, v3, vm0, $0xb8;
	[tilespmem:$0xC080] =	vst v63  }
0x4f: {  	_ = 	snop  }
0x50: {  	[tilespmem:s24], [sflag:$0x1] =	stream.indirect_vreg.gather [hbm4b:s5+s2], $0x80, v3, vm0, $0xb8;
	[tilespmem:$0xC080] =	vst v63  }
0x51: {  	v3 =	vld [tilespmem:$0x30];
	_ =	sdelay $0x4  }
0x52: {  	v63 =	vshrl.u32 v3, $0x3  }
0x53: {  	v4 =	vmul.u32 $0x30, v63  }
0x54: {  	v3 =	vand.u32 $0x7, v3  }
0x55: {  	v3 =	vor.u32 v3, v4  }
0x56: {  	v4 =	vperm.xlane v3, v0;
	_ =	sdelay $0x1  }
0x57: {  	v4 =	vadd.s32 v1, v4;
	_ =	sdelay $0x3  }
0x58: {  	v3 =	vperm.xlane v3, v2  }
0x59: {  	[tilespmem:s25], [sflag:$0x1] =	stream.indirect_vreg.gather [hbm4b:s3+s2], $0x80, v4, vm0, $0xb8;
	[tilespmem:$0xC080] =	vst v63  }
0x5a: {  	v3 =	vadd.s32 v1, v3  }
0x5b: {  	[tilespmem:s26], [sflag:$0x1] =	stream.indirect_vreg.gather [hbm4b:s4+s2], $0x80, v4, vm0, $0xb8;
	[tilespmem:$0xC080] =	vst v63  }
0x5c: {  	_ = 	snop  }
0x5d: {  	[tilespmem:s28], [sflag:$0x1] =	stream.indirect_vreg.gather [hbm4b:s5+s2], $0x80, v4, vm0, $0xb8;
	[tilespmem:$0xC080] =	vst v63  }
0x5e: {  	_ = 	snop  }
0x5f: {  	[tilespmem:s29], [sflag:$0x1] =	stream.indirect_vreg.gather [hbm4b:s3+s2], $0x80, v3, vm0, $0xb8;
	[tilespmem:$0xC080] =	vst v63  }
0x60: {  	_ = 	snop  }
0x61: {  	[tilespmem:s30], [sflag:$0x1] =	stream.indirect_vreg.gather [hbm4b:s4+s2], $0x80, v3, vm0, $0xb8;
	[tilespmem:$0xC080] =	vst v63  }
0x62: {  	_ = 	snop  }
0x63: {  	[tilespmem:s31], [sflag:$0x1] =	stream.indirect_vreg.gather [hbm4b:s5+s2], $0x80, v3, vm0, $0xb8;
	[tilespmem:$0xC080] =	vst v63  }
0x64: {  	_ =	swait.ge [sflag:s0], $0xC000  }
0x65: {  	p0 =	sne.s32 s6, $0x1;
	[sflag:s0] =	ssyncset.done $0x0  }
.Ltmp0:
0x66: {  	s1 =	rddreg [dreg:$0x4];
	[sflag:s0] =	ssyncadd.s32 $0xFFFF4000;
	(pc) =	sbr.rel @p0 .LBB2_1-.Ltmp0, $4  }
0x67: {  	[hbm4b:s1+s2] =	stream.linear.scatter [tilespmem:s8], [sflag:$0x2], $0xC000, $0x38;
	[tilespmem:$0xC080] =	vst v63  }
0x68: {  	_ =	swait.ge [sflag:s7], $0xC000  }
0x69: {  	[sflag:s7] =	ssyncset.done $0x0  }
0x6a: {  	s6 =	sadd.s32 $0xFFFFFFFF, s6;
	[sflag:s7] =	ssyncadd.s32 $0xFFFF4000  }
0x6b: {  	_ =	sfence.sel $0x180000  }
0x6c: {  	[bflag:$0x0] =	sbarrier.arrive $0xFFFF  }
0x6d: {  	_ =	strace $0x9000004A  }
0x6e: {  	s0 =	stileid.u32;
	[bflag:$0x2] =	sbarrier.arrive $0xFFFF  }
0x6f: {  	p0 =	sne.s32 s0, $0x0;
	s0 =	rddreg [dreg:$0x2]  }
0x70: {  	s0 =	sadd.s32 @!p0 $0x100000, s0  }
0x71: {  	[sflag:s0] =	ssyncadd.tile.s32 @!p0 $0x1;
	_ =	shalt  }
.Lfunc_end2:
_tile_overlayer_lowered:
.L_overlay_start_2:
0x72: {  	(tag) =	ssettag $0x2  }
0x73: {  	s0 =	rddreg [dreg:$0x0];
	s2 =	stileid.u32  }
0x74: {  	s1 =	rddreg [dreg:$0x1];
	p0 =	sne.s32 s2, $0x0  }
0x75: {  	s3 =	rddreg [dreg:$0x2];
	[bflag:$0x3] =	sbarrier.arrive $0xFFFF;
	s2 =	simm.s32 @!p0 $0x1C02  }
0x76: {  	[timem:s3], [sflag:s2] =	dma.local @!p0 [hbm:s0], s1  }
0x77: {  	s0 =	simm.s32 @!p0 $0x2  }
0x78: {  	_ =	swait.ge @!p0 [sflag:s0], s1  }
0x79: {  	s1 =	ssub.s32 @!p0 $0x0, s1;
	[sflag:s0] =	ssyncset.done @!p0 $0x0  }
0x7a: {  	[sflag:s0] =	ssyncadd.s32 @!p0 s1  }
0x7b: {  	[bflag:$0x3] =	sbarrier.arrive $0xFFFF  }
0x7c: {  	_ =	shalt  }

</sc_bundles>
